<compile_context>
chip_gen: v7x
topology: tpu7x:2x2x1
jax: 0.10.2.dev20260603
libtpu: 0.0.44.dev20260713+nightly
codegen_flags: <defaults>
</compile_context>

<pallas_src>
import functools

import jax
import jax.numpy as jnp
from jax import lax
from jax.experimental import pallas as pl
from jax.experimental.pallas import tpu as pltpu
from jax.experimental.pallas import tpu_sc as plsc

N = 100000
E = 1600000
F_IN = 2
H = 64
D_E = 52
G = 64

NC, NS = 2, 16
NW = NC * NS
CH = 128
BE = 4096
EP = ((E + BE - 1) // BE) * BE
R = EP // CH
RG = R // NW
RS = R // NS
NDUMMY = 16
NACC = N + NDUMMY
ZR = NACC // NS
RBR = 893
DR = N // NS
CG = 16
NBLK = 20
BN = N // NBLK

_P = jax.lax.Precision.HIGHEST

@functools.lru_cache(maxsize=1)
def _mesh():
    return plsc.VectorSubcoreMesh(core_axis_name="c", subcore_axis_name="s",
                                  num_cores=NC, num_subcores=NS)


def _gather_body(src2d, x, xj, idxA, idxB, rowA, rowB, siA, siB, sgA, sgB, ssA, ssB):
    c = lax.axis_index("c")
    s = lax.axis_index("s")
    w = s * NC + c
    base = w * RG

    def loadI(r, idx_ref, si):
        pltpu.async_copy(src2d.at[base + r], idx_ref, si)

    def waitI(idx_ref, si):
        pltpu.make_async_copy(src2d.at[0], idx_ref, si).wait()

    def startG(idx_ref, row_ref, sg):
        pltpu.async_copy(x.at[idx_ref], row_ref, sg)

    def waitG(idx_ref, row_ref, sg):
        pltpu.make_async_copy(x.at[idx_ref], row_ref, sg).wait()

    def startS(r, row_ref, ss):
        pltpu.async_copy(row_ref, xj.at[pl.ds((base + r) * CH, CH)], ss)

    def waitS(row_ref, ss):
        pltpu.make_async_copy(row_ref, xj.at[pl.ds(0, CH)], ss).wait()

    loadI(0, idxA, siA)
    waitI(idxA, siA)
    startG(idxA, rowA, sgA)
    loadI(1, idxB, siB)

    def body(i, carry):
        r0 = 2 * i
        waitG(idxA, rowA, sgA)
        startS(r0, rowA, ssA)
        waitI(idxB, siB)
        startG(idxB, rowB, sgB)

        @pl.when(r0 + 2 < RG)
        def _():
            loadI(r0 + 2, idxA, siA)

        waitG(idxB, rowB, sgB)
        startS(r0 + 1, rowB, ssB)

        @pl.when(r0 + 3 < RG)
        def _():
            loadI(r0 + 3, idxB, siB)

        waitS(rowA, ssA)

        @pl.when(r0 + 2 < RG)
        def _():
            waitI(idxA, siA)
            startG(idxA, rowA, sgA)

        waitS(rowB, ssB)
        return carry

    lax.fori_loop(0, RG // 2, body, 0)
    waitG(idxA, rowA, sgA)
    startS(RG - 1, rowA, ssA)
    waitS(rowA, ssA)


def _gather(src2d, x16):
    k = pl.kernel(
        _gather_body,
        out_type=jax.ShapeDtypeStruct((EP, 16), jnp.float32),
        mesh=_mesh(),
        compiler_params=pltpu.CompilerParams(use_tc_tiling_on_sc=False),
        scratch_types=[
            pltpu.VMEM((CH,), jnp.int32),
            pltpu.VMEM((CH,), jnp.int32),
            pltpu.VMEM((CH, 16), jnp.float32),
            pltpu.VMEM((CH, 16), jnp.float32),
            pltpu.SemaphoreType.DMA,
            pltpu.SemaphoreType.DMA,
            pltpu.SemaphoreType.DMA,
            pltpu.SemaphoreType.DMA,
            pltpu.SemaphoreType.DMA,
            pltpu.SemaphoreType.DMA,
        ],
    )
    return k(src2d, x16)


def _msg_body(ea_ref, xj_ref, w1_ref, b1m_ref, msg_ref):
    ea = ea_ref[...]
    th = lax.dot_general(ea, w1_ref[...], (((1,), (0,)), ((), ())),
                         preferred_element_type=jnp.float32, precision=_P)
    xj = xj_ref[...]
    x0 = xj[:, 0:1]
    x1 = xj[:, 1:2]
    b1m = b1m_ref[...]
    msg_ref[...] = (x0 * (th[:, :H] + b1m[0:1, :])
                    + x1 * (th[:, H:] + b1m[1:2, :]))


def _msg(ea, xj, w1, b1m):
    return pl.pallas_call(
        _msg_body,
        grid=(EP // BE,),
        in_specs=[
            pl.BlockSpec((BE, D_E), lambda i: (i, 0)),
            pl.BlockSpec((BE, 16), lambda i: (i, 0)),
            pl.BlockSpec((D_E, 2 * H), lambda i: (0, 0)),
            pl.BlockSpec((F_IN, H), lambda i: (0, 0)),
        ],
        out_specs=pl.BlockSpec((BE, H), lambda i: (i, 0)),
        out_shape=jax.ShapeDtypeStruct((EP, H), jnp.float32),
    )(ea, xj, w1, b1m)


def _scatter_body(dst2d, msg, zrows, aggr, idxA, idxB, bufA, bufB, rb, acc,
                  siA, siB, smA, smB):
    c = lax.axis_index("c")
    s = lax.axis_index("s")

    for g_loc in range(2):
        col0 = (2 * c + g_loc) * CG

        pltpu.sync_copy(zrows, acc.at[pl.ds(s * ZR, ZR)])
        for j in range(ZR // RBR):
            pltpu.sync_copy(acc.at[pl.ds(s * ZR + j * RBR, RBR)], rb)
        plsc.subcore_barrier()

        def load(r, idx_ref, buf_ref, si, sm):
            row = s * RS + r
            pltpu.async_copy(dst2d.at[row], idx_ref, si)
            pltpu.async_copy(msg.at[pl.ds(row * CH, CH), pl.ds(col0, CG)],
                             buf_ref, sm)

        def wait(idx_ref, buf_ref, si, sm):
            pltpu.make_async_copy(dst2d.at[0], idx_ref, si).wait()
            pltpu.make_async_copy(msg.at[pl.ds(0, CH), pl.ds(0, CG)],
                                  buf_ref, sm).wait()

        load(0, idxA, bufA, siA, smA)

        def body(i, carry):
            r0 = 2 * i
            load(r0 + 1, idxB, bufB, siB, smB)
            wait(idxA, bufA, siA, smA)
            pltpu.sync_copy(bufA, acc.at[idxA], add=True)

            @pl.when(r0 + 2 < RS)
            def _():
                load(r0 + 2, idxA, bufA, siA, smA)

            wait(idxB, bufB, siB, smB)
            pltpu.sync_copy(bufB, acc.at[idxB], add=True)
            return carry

        lax.fori_loop(0, RS // 2, body, 0)
        plsc.subcore_barrier()
        pltpu.sync_copy(acc.at[pl.ds(s * DR, DR)],
                        aggr.at[pl.ds(s * DR, DR), pl.ds(col0, CG)])
        plsc.subcore_barrier()


def _scatter(dst2d, msg, zrows):
    k = pl.kernel(
        _scatter_body,
        out_type=jax.ShapeDtypeStruct((N, H), jnp.float32),
        mesh=_mesh(),
        compiler_params=pltpu.CompilerParams(use_tc_tiling_on_sc=False),
        scratch_types=[
            pltpu.VMEM((CH,), jnp.int32),
            pltpu.VMEM((CH,), jnp.int32),
            pltpu.VMEM((CH, CG), jnp.float32),
            pltpu.VMEM((CH, CG), jnp.float32),
            pltpu.VMEM((RBR, CG), jnp.float32),
            pltpu.VMEM_SHARED((NACC, CG), jnp.float32),
            pltpu.SemaphoreType.DMA,
            pltpu.SemaphoreType.DMA,
            pltpu.SemaphoreType.DMA,
            pltpu.SemaphoreType.DMA,
        ],
    )
    return k(dst2d, msg, zrows)


def _post_body(aggr_ref, x_ref, b3_ref, root_ref, cb_ref,
               fw1_ref, fb1_ref, fw2_ref, fb2_ref, fw3_ref, fb3_ref,
               fw4_ref, fb4_ref, y_ref, pool_acc, cnt_acc):
    i = pl.program_id(0)

    @pl.when(i == 0)
    def _():
        pool_acc[...] = jnp.zeros_like(pool_acc)
        cnt_acc[...] = jnp.zeros_like(cnt_acc)

    xr = lax.dot_general(x_ref[...], root_ref[...], (((1,), (0,)), ((), ())),
                         preferred_element_type=jnp.float32, precision=_P)
    out = jnp.maximum(aggr_ref[...] + xr + cb_ref[...], 0.0)
    b = b3_ref[0, 0, :]
    gids = lax.broadcasted_iota(jnp.int32, (G, BN), 0)
    oh = (b[None, :] == gids).astype(jnp.float32)
    pool_acc[...] += lax.dot_general(oh, out, (((1,), (0,)), ((), ())),
                                     preferred_element_type=jnp.float32,
                                     precision=_P)
    cnt_acc[...] += jnp.sum(oh, axis=1, keepdims=True)

    @pl.when(i == NBLK - 1)
    def _():
        pooled = pool_acc[...] / jnp.maximum(cnt_acc[...], 1.0)

        def lin(hh, w_ref, b_ref):
            return lax.dot_general(hh, w_ref[...], (((1,), (0,)), ((), ())),
                                   preferred_element_type=jnp.float32,
                                   precision=_P) + b_ref[...]

        h = jnp.maximum(lin(pooled, fw1_ref, fb1_ref), 0.0)
        h = jnp.maximum(lin(h, fw2_ref, fb2_ref), 0.0)
        h = jnp.maximum(lin(h, fw3_ref, fb3_ref), 0.0)
        y_ref[...] = lin(h, fw4_ref, fb4_ref)


def _post(aggr, x, b3, root, cb, fw1, fb1, fw2, fb2, fw3, fb3, fw4p, fb4p):
    def full(shape):
        nd = len(shape)
        return pl.BlockSpec(shape, lambda i, _nd=nd: (0,) * _nd)

    return pl.pallas_call(
        _post_body,
        grid=(NBLK,),
        in_specs=[
            pl.BlockSpec((BN, H), lambda i: (i, 0)),
            pl.BlockSpec((BN, F_IN), lambda i: (i, 0)),
            pl.BlockSpec((1, 1, BN), lambda i: (i, 0, 0)),
            full((F_IN, H)),
            full((1, H)),
            full((H, 128)),
            full((1, 128)),
            full((128, 256)),
            full((1, 256)),
            full((256, 128)),
            full((1, 128)),
            full((128, 128)),
            full((1, 128)),
        ],
        out_specs=pl.BlockSpec((G, 128), lambda i: (0, 0)),
        out_shape=jax.ShapeDtypeStruct((G, 128), jnp.float32),
        scratch_shapes=[pltpu.VMEM((G, H), jnp.float32),
                        pltpu.VMEM((G, 1), jnp.float32)],
    )(aggr, x, b3, root, cb, fw1, fb1, fw2, fb2, fw3, fb3, fw4p, fb4p)


def kernel(x, edge_index, edge_attr, batch, w1, b1, root, conv_bias,
           fw1, fb1, fw2, fb2, fw3, fb3, fw4, fb4):
    src = edge_index[0]
    dst = edge_index[1]
    pad = EP - E
    src_p = jnp.concatenate([src, jnp.zeros((pad,), jnp.int32)]).reshape(R, CH)
    dummy = N + (lax.iota(jnp.int32, pad) % NDUMMY)
    dst_p = jnp.concatenate([dst, dummy]).reshape(R, CH)
    zrows = jnp.zeros((ZR, CG), jnp.float32)
    b1m = b1.reshape(F_IN, H)

    x16 = jnp.pad(x, ((0, 0), (0, 16 - F_IN)))
    xj = _gather(src_p, x16)
    msg = _msg(edge_attr, xj, w1, b1m)
    aggr = _scatter(dst_p, msg, zrows)

    b3 = batch.reshape(NBLK, 1, BN)
    fw4p = jnp.pad(fw4, ((0, 0), (0, 127)))
    fb4p = jnp.pad(fb4, (0, 127)).reshape(1, 128)
    y = _post(aggr, x, b3, root, conv_bias.reshape(1, H),
              fw1, fb1.reshape(1, -1), fw2, fb2.reshape(1, -1),
              fw3, fb3.reshape(1, -1), fw4p, fb4p)
    return y[:, :1]

# --- scband reference (transcript-rebuilt; emitter-appended) ---
"""Pipeline reference for scband-net-81432579932954 (READ-ONLY COPY).

The authoritative reference and input builder live on the scoring server;
editing this copy changes nothing except your own understanding.
"""

import jax, jax.numpy as jnp
import numpy as np

N = 100000
E = 1600000
F_IN = 2
H = 64
D_E = 52
G = 64


def setup_inputs(seed: int = 0) -> dict:
    key = jax.random.key(seed)
    ks = jax.random.split(key, 20)
    x = jax.random.normal(ks[0], (N, F_IN), dtype=jnp.float32)
    edge_index = jax.random.randint(ks[1], (2, E), 0, N, dtype=jnp.int32)
    edge_attr = jax.random.normal(ks[2], (E, D_E), dtype=jnp.float32)
    batch = jnp.sort(jax.random.randint(ks[3], (N,), 0, G, dtype=jnp.int32))
    s = 0.05
    w1 = jax.random.normal(ks[4], (D_E, 128), dtype=jnp.float32) * s
    b1 = jnp.zeros((128,), dtype=jnp.float32)
    root = jax.random.normal(ks[5], (F_IN, H), dtype=jnp.float32) * s
    conv_bias = jnp.zeros((H,), dtype=jnp.float32)
    fw1 = jax.random.normal(ks[6], (H, 128), dtype=jnp.float32) * s
    fb1 = jnp.zeros((128,), dtype=jnp.float32)
    fw2 = jax.random.normal(ks[7], (128, 256), dtype=jnp.float32) * s
    fb2 = jnp.zeros((256,), dtype=jnp.float32)
    fw3 = jax.random.normal(ks[8], (256, 128), dtype=jnp.float32) * s
    fb3 = jnp.zeros((128,), dtype=jnp.float32)
    fw4 = jax.random.normal(ks[9], (128, 1), dtype=jnp.float32) * s
    fb4 = jnp.zeros((1,), dtype=jnp.float32)
    return {"x": x, "edge_index": edge_index, "edge_attr": edge_attr, "batch": batch,
            "w1": w1, "b1": b1, "root": root, "conv_bias": conv_bias,
            "fw1": fw1, "fb1": fb1, "fw2": fw2, "fb2": fb2,
            "fw3": fw3, "fb3": fb3, "fw4": fw4, "fb4": fb4}


def reference(x, edge_index, edge_attr, batch, w1, b1, root, conv_bias,
              fw1, fb1, fw2, fb2, fw3, fb3, fw4, fb4):
    src = edge_index[0]
    dst = edge_index[1]
    # EdgeModel: only fc1 is applied in its forward (no activation)
    theta = (edge_attr @ w1 + b1).reshape(E, F_IN, H)
    xj = jnp.take(x, src, axis=0)
    msg = jnp.einsum('ef,efh->eh', xj, theta)
    aggr = jax.ops.segment_sum(msg, dst, num_segments=N)
    out = aggr + x @ root + conv_bias
    out = jax.nn.relu(out)
    # global_mean_pool
    sums = jax.ops.segment_sum(out, batch, num_segments=G)
    cnt = jax.ops.segment_sum(jnp.ones((N,), dtype=jnp.float32), batch, num_segments=G)
    pooled = sums / jnp.clip(cnt, 1.0)[:, None]
    h = jax.nn.relu(pooled @ fw1 + fb1)
    h = jax.nn.relu(h @ fw2 + fb2)
    h = jax.nn.relu(h @ fw3 + fb3)
    y = h @ fw4 + fb4
    return y

if __name__ == "__main__":
    import jax
    _d = setup_inputs()
    print(jax.jit(kernel)(*tuple(_d.values())))

</pallas_src>

<mosaic_0001>
#map = affine_map<(d0, d1) -> (0, 0)>
module attributes {stable_mosaic.version = 14 : i64} {
  func.func @_gather_body(%arg0: i32, %arg1: i32, %arg2: memref<12512x128xi32, #tpu.memory_space<hbm>>, %arg3: memref<100000x16xf32, #tpu.memory_space<hbm>>, %arg4: memref<1601536x16xf32, #tpu.memory_space<hbm>>, %arg5: memref<128xi32, #tpu.memory_space<vmem>>, %arg6: memref<128xi32, #tpu.memory_space<vmem>>, %arg7: memref<128x16xf32, #tpu.memory_space<vmem>>, %arg8: memref<128x16xf32, #tpu.memory_space<vmem>>, %arg9: memref<!tpu.dma_semaphore, #tpu.memory_space<semaphore_mem>>, %arg10: memref<!tpu.dma_semaphore, #tpu.memory_space<semaphore_mem>>, %arg11: memref<!tpu.dma_semaphore, #tpu.memory_space<semaphore_mem>>, %arg12: memref<!tpu.dma_semaphore, #tpu.memory_space<semaphore_mem>>, %arg13: memref<!tpu.dma_semaphore, #tpu.memory_space<semaphore_mem>>, %arg14: memref<!tpu.dma_semaphore, #tpu.memory_space<semaphore_mem>>) attributes {dimension_semantics = [#tpu.dimension_semantics<core_parallel>, #tpu.dimension_semantics<subcore_parallel>], iteration_bounds = array<i64: 2, 16>, scalar_prefetch = 0 : i64, scratch_operands = 10 : i64, tpu.core_type = #tpu.core_type<sc_vector_subcore>, window_params = [{transform_indices = #map}, {transform_indices = #map}, {transform_indices = #map}]} {
    %mul3A = arith.constant 2 : i32
    %mul3A_0 = arith.muli %arg1, %mul3A : i32
    %add3A = arith.addi %mul3A_0, %arg0 : i32
    %mul3A_1 = arith.constant 391 : i32
    %mul3A_2 = arith.muli %add3A, %mul3A_1 : i32
    %add3A_3 = arith.constant 0 : i32
    %add3A_4 = arith.addi %mul3A_2, %add3A_3 : i32
    %dma_start3A = arith.constant 0 : i32
    %dma_start3A_5 = tpu.memref_slice %arg2[%add3A_4, %dma_start3A] : memref<12512x128xi32, #tpu.memory_space<hbm>> -> memref<1x128xi32, #tpu.memory_space<hbm>>
    %dma_start3A_6 = tpu.memref_squeeze %dma_start3A_5 : memref<1x128xi32, #tpu.memory_space<hbm>> -> memref<128xi32, #tpu.memory_space<hbm>>
    %dma_start3A_7 = arith.constant 0 : i32
    %dma_start3A_8 = tpu.memref_slice %arg2[%add3A_4, %dma_start3A_7] : memref<12512x128xi32, #tpu.memory_space<hbm>> -> memref<1x128xi32, #tpu.memory_space<hbm>>
    %dma_start3A_9 = tpu.memref_squeeze %dma_start3A_8 : memref<1x128xi32, #tpu.memory_space<hbm>> -> memref<128xi32, #tpu.memory_space<hbm>>
    tpu.enqueue_dma source(%dma_start3A_9 : memref<128xi32, #tpu.memory_space<hbm>>) target(%arg5 : memref<128xi32, #tpu.memory_space<vmem>>) target_semaphore(%arg9 : memref<!tpu.dma_semaphore, #tpu.memory_space<semaphore_mem>>)
    %dma_wait3A = arith.constant 0 : i32
    %dma_wait3A_10 = arith.constant 0 : i32
    %dma_wait3A_11 = tpu.memref_slice %arg2[%dma_wait3A, %dma_wait3A_10] : memref<12512x128xi32, #tpu.memory_space<hbm>> -> memref<1x128xi32, #tpu.memory_space<hbm>>
    %dma_wait3A_12 = tpu.memref_squeeze %dma_wait3A_11 : memref<1x128xi32, #tpu.memory_space<hbm>> -> memref<128xi32, #tpu.memory_space<hbm>>
    %dma_wait3A_13 = arith.constant 0 : i32
    %dma_wait3A_14 = tpu.memref_slice %arg2[%dma_wait3A, %dma_wait3A_13] : memref<12512x128xi32, #tpu.memory_space<hbm>> -> memref<1x128xi32, #tpu.memory_space<hbm>>
    %dma_wait3A_15 = tpu.memref_squeeze %dma_wait3A_14 : memref<1x128xi32, #tpu.memory_space<hbm>> -> memref<128xi32, #tpu.memory_space<hbm>>
    tpu.wait_dma2 semaphore(%arg9 : memref<!tpu.dma_semaphore, #tpu.memory_space<semaphore_mem>>) src(%dma_wait3A_15 : memref<128xi32, #tpu.memory_space<hbm>>) dst(%arg5 : memref<128xi32, #tpu.memory_space<vmem>>)
    %dma_start3A_16 = arith.constant 0 : i32
    %dma_start3A_17 = arith.constant 0 : i32
    %dma_start3A_18 = tpu.memref_slice %arg3[%dma_start3A_16, %dma_start3A_17] : memref<100000x16xf32, #tpu.memory_space<hbm>> -> memref<100000x16xf32, #tpu.memory_space<hbm>>
    tpu.enqueue_indirect_dma source(%dma_start3A_18 : memref<100000x16xf32, #tpu.memory_space<hbm>>) target(%arg7 : memref<128x16xf32, #tpu.memory_space<vmem>>) offsets(%arg5 : memref<128xi32, #tpu.memory_space<vmem>>) semaphore(%arg11 : memref<!tpu.dma_semaphore, #tpu.memory_space<semaphore_mem>>)
    %add3A_19 = arith.constant 1 : i32
    %add3A_20 = arith.addi %mul3A_2, %add3A_19 : i32
    %dma_start3A_21 = arith.constant 0 : i32
    %dma_start3A_22 = tpu.memref_slice %arg2[%add3A_20, %dma_start3A_21] : memref<12512x128xi32, #tpu.memory_space<hbm>> -> memref<1x128xi32, #tpu.memory_space<hbm>>
    %dma_start3A_23 = tpu.memref_squeeze %dma_start3A_22 : memref<1x128xi32, #tpu.memory_space<hbm>> -> memref<128xi32, #tpu.memory_space<hbm>>
    %dma_start3A_24 = arith.constant 0 : i32
    %dma_start3A_25 = tpu.memref_slice %arg2[%add3A_20, %dma_start3A_24] : memref<12512x128xi32, #tpu.memory_space<hbm>> -> memref<1x128xi32, #tpu.memory_space<hbm>>
    %dma_start3A_26 = tpu.memref_squeeze %dma_start3A_25 : memref<1x128xi32, #tpu.memory_space<hbm>> -> memref<128xi32, #tpu.memory_space<hbm>>
    tpu.enqueue_dma source(%dma_start3A_26 : memref<128xi32, #tpu.memory_space<hbm>>) target(%arg6 : memref<128xi32, #tpu.memory_space<vmem>>) target_semaphore(%arg10 : memref<!tpu.dma_semaphore, #tpu.memory_space<semaphore_mem>>)
    %scan3A = arith.constant 0 : i32
    %scan3A_27 = arith.constant 0 : i32
    %scan3A_28 = arith.constant 195 : i32
    %scan3A_29 = arith.addi %scan3A_27, %scan3A_28 : i32
    %scan3A_30 = arith.constant 1 : i32
    scf.for %scan3A_49 = %scan3A_27 to %scan3A_29 step %scan3A_30  : i32 {
      %mul3A_50 = arith.constant 2 : i32
      %mul3A_51 = arith.muli %mul3A_50, %scan3A_49 : i32
      %dma_wait3A_52 = arith.constant 0 : i32
      %dma_wait3A_53 = arith.constant 0 : i32
      %dma_wait3A_54 = tpu.memref_slice %arg3[%dma_wait3A_52, %dma_wait3A_53] : memref<100000x16xf32, #tpu.memory_space<hbm>> -> memref<100000x16xf32, #tpu.memory_space<hbm>>
      tpu.wait_indirect_dma semaphore(%arg11 : memref<!tpu.dma_semaphore, #tpu.memory_space<semaphore_mem>>) src(%dma_wait3A_54 : memref<100000x16xf32, #tpu.memory_space<hbm>>) dst(%arg7 : memref<128x16xf32, #tpu.memory_space<vmem>>)
      %add3A_55 = arith.addi %mul3A_2, %mul3A_51 : i32
      %mul3A_56 = arith.constant 128 : i32
      %mul3A_57 = arith.muli %add3A_55, %mul3A_56 : i32
      %dma_start3A_58 = arith.constant 0 : i32
      %dma_start3A_59 = tpu.memref_slice %arg4[%mul3A_57, %dma_start3A_58] : memref<1601536x16xf32, #tpu.memory_space<hbm>> -> memref<128x16xf32, #tpu.memory_space<hbm>>
      %dma_start3A_60 = arith.constant 0 : i32
      %dma_start3A_61 = tpu.memref_slice %arg4[%mul3A_57, %dma_start3A_60] : memref<1601536x16xf32, #tpu.memory_space<hbm>> -> memref<128x16xf32, #tpu.memory_space<hbm>>
      tpu.enqueue_dma source(%arg7 : memref<128x16xf32, #tpu.memory_space<vmem>>) target(%dma_start3A_61 : memref<128x16xf32, #tpu.memory_space<hbm>>) target_semaphore(%arg13 : memref<!tpu.dma_semaphore, #tpu.memory_space<semaphore_mem>>)
      %dma_wait3A_62 = arith.constant 0 : i32
      %dma_wait3A_63 = arith.constant 0 : i32
      %dma_wait3A_64 = tpu.memref_slice %arg2[%dma_wait3A_62, %dma_wait3A_63] : memref<12512x128xi32, #tpu.memory_space<hbm>> -> memref<1x128xi32, #tpu.memory_space<hbm>>
      %dma_wait3A_65 = tpu.memref_squeeze %dma_wait3A_64 : memref<1x128xi32, #tpu.memory_space<hbm>> -> memref<128xi32, #tpu.memory_space<hbm>>
      %dma_wait3A_66 = arith.constant 0 : i32
      %dma_wait3A_67 = tpu.memref_slice %arg2[%dma_wait3A_62, %dma_wait3A_66] : memref<12512x128xi32, #tpu.memory_space<hbm>> -> memref<1x128xi32, #tpu.memory_space<hbm>>
      %dma_wait3A_68 = tpu.memref_squeeze %dma_wait3A_67 : memref<1x128xi32, #tpu.memory_space<hbm>> -> memref<128xi32, #tpu.memory_space<hbm>>
      tpu.wait_dma2 semaphore(%arg10 : memref<!tpu.dma_semaphore, #tpu.memory_space<semaphore_mem>>) src(%dma_wait3A_68 : memref<128xi32, #tpu.memory_space<hbm>>) dst(%arg6 : memref<128xi32, #tpu.memory_space<vmem>>)
      %dma_start3A_69 = arith.constant 0 : i32
      %dma_start3A_70 = arith.constant 0 : i32
      %dma_start3A_71 = tpu.memref_slice %arg3[%dma_start3A_69, %dma_start3A_70] : memref<100000x16xf32, #tpu.memory_space<hbm>> -> memref<100000x16xf32, #tpu.memory_space<hbm>>
      tpu.enqueue_indirect_dma source(%dma_start3A_71 : memref<100000x16xf32, #tpu.memory_space<hbm>>) target(%arg8 : memref<128x16xf32, #tpu.memory_space<vmem>>) offsets(%arg6 : memref<128xi32, #tpu.memory_space<vmem>>) semaphore(%arg12 : memref<!tpu.dma_semaphore, #tpu.memory_space<semaphore_mem>>)
      %add3A_72 = arith.constant 2 : i32
      %add3A_73 = arith.addi %mul3A_51, %add3A_72 : i32
      %lt3A = arith.constant 391 : i32
      %lt3A_74 = arith.cmpi slt, %add3A_73, %lt3A : i32
      %convert_element_type3A = arith.extui %lt3A_74 : i1 to i32
      %cond3A = arith.constant 0 : i32
      %cond3A_75 = arith.cmpi ne, %convert_element_type3A, %cond3A : i32
      scf.if %cond3A_75 {
        %add3A_114 = arith.constant 2 : i32
        %add3A_115 = arith.addi %mul3A_51, %add3A_114 : i32
        %add3A_116 = arith.addi %mul3A_2, %add3A_115 : i32
        %dma_start3A_117 = arith.constant 0 : i32
        %dma_start3A_118 = tpu.memref_slice %arg2[%add3A_116, %dma_start3A_117] : memref<12512x128xi32, #tpu.memory_space<hbm>> -> memref<1x128xi32, #tpu.memory_space<hbm>>
        %dma_start3A_119 = tpu.memref_squeeze %dma_start3A_118 : memref<1x128xi32, #tpu.memory_space<hbm>> -> memref<128xi32, #tpu.memory_space<hbm>>
        %dma_start3A_120 = arith.constant 0 : i32
        %dma_start3A_121 = tpu.memref_slice %arg2[%add3A_116, %dma_start3A_120] : memref<12512x128xi32, #tpu.memory_space<hbm>> -> memref<1x128xi32, #tpu.memory_space<hbm>>
        %dma_start3A_122 = tpu.memref_squeeze %dma_start3A_121 : memref<1x128xi32, #tpu.memory_space<hbm>> -> memref<128xi32, #tpu.memory_space<hbm>>
        tpu.enqueue_dma source(%dma_start3A_122 : memref<128xi32, #tpu.memory_space<hbm>>) target(%arg5 : memref<128xi32, #tpu.memory_space<vmem>>) target_semaphore(%arg9 : memref<!tpu.dma_semaphore, #tpu.memory_space<semaphore_mem>>)
      } else {
      }
      %dma_wait3A_76 = arith.constant 0 : i32
      %dma_wait3A_77 = arith.constant 0 : i32
      %dma_wait3A_78 = tpu.memref_slice %arg3[%dma_wait3A_76, %dma_wait3A_77] : memref<100000x16xf32, #tpu.memory_space<hbm>> -> memref<100000x16xf32, #tpu.memory_space<hbm>>
      tpu.wait_indirect_dma semaphore(%arg12 : memref<!tpu.dma_semaphore, #tpu.memory_space<semaphore_mem>>) src(%dma_wait3A_78 : memref<100000x16xf32, #tpu.memory_space<hbm>>) dst(%arg8 : memref<128x16xf32, #tpu.memory_space<vmem>>)
      %add3A_79 = arith.constant 1 : i32
      %add3A_80 = arith.addi %mul3A_51, %add3A_79 : i32
      %add3A_81 = arith.addi %mul3A_2, %add3A_80 : i32
      %mul3A_82 = arith.constant 128 : i32
      %mul3A_83 = arith.muli %add3A_81, %mul3A_82 : i32
      %dma_start3A_84 = arith.constant 0 : i32
      %dma_start3A_85 = tpu.memref_slice %arg4[%mul3A_83, %dma_start3A_84] : memref<1601536x16xf32, #tpu.memory_space<hbm>> -> memref<128x16xf32, #tpu.memory_space<hbm>>
      %dma_start3A_86 = arith.constant 0 : i32
      %dma_start3A_87 = tpu.memref_slice %arg4[%mul3A_83, %dma_start3A_86] : memref<1601536x16xf32, #tpu.memory_space<hbm>> -> memref<128x16xf32, #tpu.memory_space<hbm>>
      tpu.enqueue_dma source(%arg8 : memref<128x16xf32, #tpu.memory_space<vmem>>) target(%dma_start3A_87 : memref<128x16xf32, #tpu.memory_space<hbm>>) target_semaphore(%arg14 : memref<!tpu.dma_semaphore, #tpu.memory_space<semaphore_mem>>)
      %add3A_88 = arith.constant 3 : i32
      %add3A_89 = arith.addi %mul3A_51, %add3A_88 : i32
      %lt3A_90 = arith.constant 391 : i32
      %lt3A_91 = arith.cmpi slt, %add3A_89, %lt3A_90 : i32
      %convert_element_type3A_92 = arith.extui %lt3A_91 : i1 to i32
      %cond3A_93 = arith.constant 0 : i32
      %cond3A_94 = arith.cmpi ne, %convert_element_type3A_92, %cond3A_93 : i32
      scf.if %cond3A_94 {
        %add3A_114 = arith.constant 3 : i32
        %add3A_115 = arith.addi %mul3A_51, %add3A_114 : i32
        %add3A_116 = arith.addi %mul3A_2, %add3A_115 : i32
        %dma_start3A_117 = arith.constant 0 : i32
        %dma_start3A_118 = tpu.memref_slice %arg2[%add3A_116, %dma_start3A_117] : memref<12512x128xi32, #tpu.memory_space<hbm>> -> memref<1x128xi32, #tpu.memory_space<hbm>>
        %dma_start3A_119 = tpu.memref_squeeze %dma_start3A_118 : memref<1x128xi32, #tpu.memory_space<hbm>> -> memref<128xi32, #tpu.memory_space<hbm>>
        %dma_start3A_120 = arith.constant 0 : i32
        %dma_start3A_121 = tpu.memref_slice %arg2[%add3A_116, %dma_start3A_120] : memref<12512x128xi32, #tpu.memory_space<hbm>> -> memref<1x128xi32, #tpu.memory_space<hbm>>
        %dma_start3A_122 = tpu.memref_squeeze %dma_start3A_121 : memref<1x128xi32, #tpu.memory_space<hbm>> -> memref<128xi32, #tpu.memory_space<hbm>>
        tpu.enqueue_dma source(%dma_start3A_122 : memref<128xi32, #tpu.memory_space<hbm>>) target(%arg6 : memref<128xi32, #tpu.memory_space<vmem>>) target_semaphore(%arg10 : memref<!tpu.dma_semaphore, #tpu.memory_space<semaphore_mem>>)
      } else {
      }
      %dma_wait3A_95 = arith.constant 0 : i32
      %dma_wait3A_96 = arith.constant 0 : i32
      %dma_wait3A_97 = tpu.memref_slice %arg4[%dma_wait3A_95, %dma_wait3A_96] : memref<1601536x16xf32, #tpu.memory_space<hbm>> -> memref<128x16xf32, #tpu.memory_space<hbm>>
      %dma_wait3A_98 = arith.constant 0 : i32
      %dma_wait3A_99 = arith.constant 0 : i32
      %dma_wait3A_100 = tpu.memref_slice %arg4[%dma_wait3A_98, %dma_wait3A_99] : memref<1601536x16xf32, #tpu.memory_space<hbm>> -> memref<128x16xf32, #tpu.memory_space<hbm>>
      tpu.wait_dma2 semaphore(%arg13 : memref<!tpu.dma_semaphore, #tpu.memory_space<semaphore_mem>>) src(%arg7 : memref<128x16xf32, #tpu.memory_space<vmem>>) dst(%dma_wait3A_100 : memref<128x16xf32, #tpu.memory_space<hbm>>)
      %add3A_101 = arith.constant 2 : i32
      %add3A_102 = arith.addi %mul3A_51, %add3A_101 : i32
      %lt3A_103 = arith.constant 391 : i32
      %lt3A_104 = arith.cmpi slt, %add3A_102, %lt3A_103 : i32
      %convert_element_type3A_105 = arith.extui %lt3A_104 : i1 to i32
      %cond3A_106 = arith.constant 0 : i32
      %cond3A_107 = arith.cmpi ne, %convert_element_type3A_105, %cond3A_106 : i32
      scf.if %cond3A_107 {
        %dma_wait3A_114 = arith.constant 0 : i32
        %dma_wait3A_115 = arith.constant 0 : i32
        %dma_wait3A_116 = tpu.memref_slice %arg2[%dma_wait3A_114, %dma_wait3A_115] : memref<12512x128xi32, #tpu.memory_space<hbm>> -> memref<1x128xi32, #tpu.memory_space<hbm>>
        %dma_wait3A_117 = tpu.memref_squeeze %dma_wait3A_116 : memref<1x128xi32, #tpu.memory_space<hbm>> -> memref<128xi32, #tpu.memory_space<hbm>>
        %dma_wait3A_118 = arith.constant 0 : i32
        %dma_wait3A_119 = tpu.memref_slice %arg2[%dma_wait3A_114, %dma_wait3A_118] : memref<12512x128xi32, #tpu.memory_space<hbm>> -> memref<1x128xi32, #tpu.memory_space<hbm>>
        %dma_wait3A_120 = tpu.memref_squeeze %dma_wait3A_119 : memref<1x128xi32, #tpu.memory_space<hbm>> -> memref<128xi32, #tpu.memory_space<hbm>>
        tpu.wait_dma2 semaphore(%arg9 : memref<!tpu.dma_semaphore, #tpu.memory_space<semaphore_mem>>) src(%dma_wait3A_120 : memref<128xi32, #tpu.memory_space<hbm>>) dst(%arg5 : memref<128xi32, #tpu.memory_space<vmem>>)
        %dma_start3A_121 = arith.constant 0 : i32
        %dma_start3A_122 = arith.constant 0 : i32
        %dma_start3A_123 = tpu.memref_slice %arg3[%dma_start3A_121, %dma_start3A_122] : memref<100000x16xf32, #tpu.memory_space<hbm>> -> memref<100000x16xf32, #tpu.memory_space<hbm>>
        tpu.enqueue_indirect_dma source(%dma_start3A_123 : memref<100000x16xf32, #tpu.memory_space<hbm>>) target(%arg7 : memref<128x16xf32, #tpu.memory_space<vmem>>) offsets(%arg5 : memref<128xi32, #tpu.memory_space<vmem>>) semaphore(%arg11 : memref<!tpu.dma_semaphore, #tpu.memory_space<semaphore_mem>>)
      } else {
      }
      %dma_wait3A_108 = arith.constant 0 : i32
      %dma_wait3A_109 = arith.constant 0 : i32
      %dma_wait3A_110 = tpu.memref_slice %arg4[%dma_wait3A_108, %dma_wait3A_109] : memref<1601536x16xf32, #tpu.memory_space<hbm>> -> memref<128x16xf32, #tpu.memory_space<hbm>>
      %dma_wait3A_111 = arith.constant 0 : i32
      %dma_wait3A_112 = arith.constant 0 : i32
      %dma_wait3A_113 = tpu.memref_slice %arg4[%dma_wait3A_111, %dma_wait3A_112] : memref<1601536x16xf32, #tpu.memory_space<hbm>> -> memref<128x16xf32, #tpu.memory_space<hbm>>
      tpu.wait_dma2 semaphore(%arg14 : memref<!tpu.dma_semaphore, #tpu.memory_space<semaphore_mem>>) src(%arg8 : memref<128x16xf32, #tpu.memory_space<vmem>>) dst(%dma_wait3A_113 : memref<128x16xf32, #tpu.memory_space<hbm>>)
    }
    %scan3A_31 = arith.constant 195 : i32
    %dma_wait3A_32 = arith.constant 0 : i32
    %dma_wait3A_33 = arith.constant 0 : i32
    %dma_wait3A_34 = tpu.memref_slice %arg3[%dma_wait3A_32, %dma_wait3A_33] : memref<100000x16xf32, #tpu.memory_space<hbm>> -> memref<100000x16xf32, #tpu.memory_space<hbm>>
    tpu.wait_indirect_dma semaphore(%arg11 : memref<!tpu.dma_semaphore, #tpu.memory_space<semaphore_mem>>) src(%dma_wait3A_34 : memref<100000x16xf32, #tpu.memory_space<hbm>>) dst(%arg7 : memref<128x16xf32, #tpu.memory_space<vmem>>)
    %add3A_35 = arith.constant 390 : i32
    %add3A_36 = arith.addi %mul3A_2, %add3A_35 : i32
    %mul3A_37 = arith.constant 128 : i32
    %mul3A_38 = arith.muli %add3A_36, %mul3A_37 : i32
    %dma_start3A_39 = arith.constant 0 : i32
    %dma_start3A_40 = tpu.memref_slice %arg4[%mul3A_38, %dma_start3A_39] : memref<1601536x16xf32, #tpu.memory_space<hbm>> -> memref<128x16xf32, #tpu.memory_space<hbm>>
    %dma_start3A_41 = arith.constant 0 : i32
    %dma_start3A_42 = tpu.memref_slice %arg4[%mul3A_38, %dma_start3A_41] : memref<1601536x16xf32, #tpu.memory_space<hbm>> -> memref<128x16xf32, #tpu.memory_space<hbm>>
    tpu.enqueue_dma source(%arg7 : memref<128x16xf32, #tpu.memory_space<vmem>>) target(%dma_start3A_42 : memref<128x16xf32, #tpu.memory_space<hbm>>) target_semaphore(%arg13 : memref<!tpu.dma_semaphore, #tpu.memory_space<semaphore_mem>>)
    %dma_wait3A_43 = arith.constant 0 : i32
    %dma_wait3A_44 = arith.constant 0 : i32
    %dma_wait3A_45 = tpu.memref_slice %arg4[%dma_wait3A_43, %dma_wait3A_44] : memref<1601536x16xf32, #tpu.memory_space<hbm>> -> memref<128x16xf32, #tpu.memory_space<hbm>>
    %dma_wait3A_46 = arith.constant 0 : i32
    %dma_wait3A_47 = arith.constant 0 : i32
    %dma_wait3A_48 = tpu.memref_slice %arg4[%dma_wait3A_46, %dma_wait3A_47] : memref<1601536x16xf32, #tpu.memory_space<hbm>> -> memref<128x16xf32, #tpu.memory_space<hbm>>
    tpu.wait_dma2 semaphore(%arg13 : memref<!tpu.dma_semaphore, #tpu.memory_space<semaphore_mem>>) src(%arg7 : memref<128x16xf32, #tpu.memory_space<vmem>>) dst(%dma_wait3A_48 : memref<128x16xf32, #tpu.memory_space<hbm>>)
    return
  }
}

#map = affine_map<(d0, d1) -> (0, 0)>
module attributes {stable_mosaic.version = 14 : i64} {
  func.func @_scatter_body(%arg0: i32, %arg1: i32, %arg2: memref<12512x128xi32, #tpu.memory_space<hbm>>, %arg3: memref<1601536x64xf32, #tpu.memory_space<hbm>>, %arg4: memref<6251x16xf32, #tpu.memory_space<hbm>>, %arg5: memref<100000x64xf32, #tpu.memory_space<hbm>>, %arg6: memref<128xi32, #tpu.memory_space<vmem>>, %arg7: memref<128xi32, #tpu.memory_space<vmem>>, %arg8: memref<128x16xf32, #tpu.memory_space<vmem>>, %arg9: memref<128x16xf32, #tpu.memory_space<vmem>>, %arg10: memref<893x16xf32, #tpu.memory_space<vmem>>, %arg11: memref<100016x16xf32, #tpu.memory_space<vmem_shared>>, %arg12: memref<!tpu.dma_semaphore, #tpu.memory_space<semaphore_mem>>, %arg13: memref<!tpu.dma_semaphore, #tpu.memory_space<semaphore_mem>>, %arg14: memref<!tpu.dma_semaphore, #tpu.memory_space<semaphore_mem>>, %arg15: memref<!tpu.dma_semaphore, #tpu.memory_space<semaphore_mem>>) attributes {dimension_semantics = [#tpu.dimension_semantics<core_parallel>, #tpu.dimension_semantics<subcore_parallel>], iteration_bounds = array<i64: 2, 16>, scalar_prefetch = 0 : i64, scratch_operands = 10 : i64, tpu.core_type = #tpu.core_type<sc_vector_subcore>, window_params = [{transform_indices = #map}, {transform_indices = #map}, {transform_indices = #map}, {transform_indices = #map}]} {
    %mul3A = arith.constant 2 : i32
    %mul3A_0 = arith.muli %mul3A, %arg0 : i32
    %add3A = arith.constant 0 : i32
    %add3A_1 = arith.addi %mul3A_0, %add3A : i32
    %mul3A_2 = arith.constant 16 : i32
    %mul3A_3 = arith.muli %add3A_1, %mul3A_2 : i32
    %mul3A_4 = arith.constant 6251 : i32
    %mul3A_5 = arith.muli %arg1, %mul3A_4 : i32
    "tpu.region"() ({
      %run_scoped3A = tpu.sem_alloc : memref<!tpu.dma_semaphore, #tpu.memory_space<semaphore_mem>>
      %dma_start3A_121 = arith.constant 0 : i32
      %dma_start3A_122 = tpu.memref_slice %arg11[%mul3A_5, %dma_start3A_121] : memref<100016x16xf32, #tpu.memory_space<vmem_shared>> -> memref<6251x16xf32, #tpu.memory_space<vmem_shared>>
      tpu.enqueue_dma source(%arg4 : memref<6251x16xf32, #tpu.memory_space<hbm>>) target(%dma_start3A_122 : memref<6251x16xf32, #tpu.memory_space<vmem_shared>>) target_semaphore(%run_scoped3A : memref<!tpu.dma_semaphore, #tpu.memory_space<semaphore_mem>>)
      %dma_wait3A = arith.constant 0 : i32
      %dma_wait3A_123 = tpu.memref_slice %arg11[%mul3A_5, %dma_wait3A] : memref<100016x16xf32, #tpu.memory_space<vmem_shared>> -> memref<6251x16xf32, #tpu.memory_space<vmem_shared>>
      tpu.wait_dma2 semaphore(%run_scoped3A : memref<!tpu.dma_semaphore, #tpu.memory_space<semaphore_mem>>) src(%arg4 : memref<6251x16xf32, #tpu.memory_space<hbm>>) dst(%dma_wait3A_123 : memref<6251x16xf32, #tpu.memory_space<vmem_shared>>)
      tpu.yield
    }) : () -> ()
    %mul3A_6 = arith.constant 6251 : i32
    %mul3A_7 = arith.muli %arg1, %mul3A_6 : i32
    %add3A_8 = arith.constant 0 : i32
    %add3A_9 = arith.addi %mul3A_7, %add3A_8 : i32
    "tpu.region"() ({
      %run_scoped3A = tpu.sem_alloc : memref<!tpu.dma_semaphore, #tpu.memory_space<semaphore_mem>>
      %dma_start3A_121 = arith.constant 0 : i32
      %dma_start3A_122 = tpu.memref_slice %arg11[%add3A_9, %dma_start3A_121] : memref<100016x16xf32, #tpu.memory_space<vmem_shared>> -> memref<893x16xf32, #tpu.memory_space<vmem_shared>>
      %dma_start3A_123 = arith.constant 0 : i32
      %dma_start3A_124 = tpu.memref_slice %arg11[%add3A_9, %dma_start3A_123] : memref<100016x16xf32, #tpu.memory_space<vmem_shared>> -> memref<893x16xf32, #tpu.memory_space<vmem_shared>>
      tpu.enqueue_dma source(%dma_start3A_124 : memref<893x16xf32, #tpu.memory_space<vmem_shared>>) target(%arg10 : memref<893x16xf32, #tpu.memory_space<vmem>>) target_semaphore(%run_scoped3A : memref<!tpu.dma_semaphore, #tpu.memory_space<semaphore_mem>>)
      %dma_wait3A = arith.constant 0 : i32
      %dma_wait3A_125 = tpu.memref_slice %arg11[%add3A_9, %dma_wait3A] : memref<100016x16xf32, #tpu.memory_space<vmem_shared>> -> memref<893x16xf32, #tpu.memory_space<vmem_shared>>
      %dma_wait3A_126 = arith.constant 0 : i32
      %dma_wait3A_127 = tpu.memref_slice %arg11[%add3A_9, %dma_wait3A_126] : memref<100016x16xf32, #tpu.memory_space<vmem_shared>> -> memref<893x16xf32, #tpu.memory_space<vmem_shared>>
      tpu.wait_dma2 semaphore(%run_scoped3A : memref<!tpu.dma_semaphore, #tpu.memory_space<semaphore_mem>>) src(%dma_wait3A_127 : memref<893x16xf32, #tpu.memory_space<vmem_shared>>) dst(%arg10 : memref<893x16xf32, #tpu.memory_space<vmem>>)
      tpu.yield
    }) : () -> ()
    %mul3A_10 = arith.constant 6251 : i32
    %mul3A_11 = arith.muli %arg1, %mul3A_10 : i32
    %add3A_12 = arith.constant 893 : i32
    %add3A_13 = arith.addi %mul3A_11, %add3A_12 : i32
    "tpu.region"() ({
      %run_scoped3A = tpu.sem_alloc : memref<!tpu.dma_semaphore, #tpu.memory_space<semaphore_mem>>
      %dma_start3A_121 = arith.constant 0 : i32
      %dma_start3A_122 = tpu.memref_slice %arg11[%add3A_13, %dma_start3A_121] : memref<100016x16xf32, #tpu.memory_space<vmem_shared>> -> memref<893x16xf32, #tpu.memory_space<vmem_shared>>
      %dma_start3A_123 = arith.constant 0 : i32
      %dma_start3A_124 = tpu.memref_slice %arg11[%add3A_13, %dma_start3A_123] : memref<100016x16xf32, #tpu.memory_space<vmem_shared>> -> memref<893x16xf32, #tpu.memory_space<vmem_shared>>
      tpu.enqueue_dma source(%dma_start3A_124 : memref<893x16xf32, #tpu.memory_space<vmem_shared>>) target(%arg10 : memref<893x16xf32, #tpu.memory_space<vmem>>) target_semaphore(%run_scoped3A : memref<!tpu.dma_semaphore, #tpu.memory_space<semaphore_mem>>)
      %dma_wait3A = arith.constant 0 : i32
      %dma_wait3A_125 = tpu.memref_slice %arg11[%add3A_13, %dma_wait3A] : memref<100016x16xf32, #tpu.memory_space<vmem_shared>> -> memref<893x16xf32, #tpu.memory_space<vmem_shared>>
      %dma_wait3A_126 = arith.constant 0 : i32
      %dma_wait3A_127 = tpu.memref_slice %arg11[%add3A_13, %dma_wait3A_126] : memref<100016x16xf32, #tpu.memory_space<vmem_shared>> -> memref<893x16xf32, #tpu.memory_space<vmem_shared>>
      tpu.wait_dma2 semaphore(%run_scoped3A : memref<!tpu.dma_semaphore, #tpu.memory_space<semaphore_mem>>) src(%dma_wait3A_127 : memref<893x16xf32, #tpu.memory_space<vmem_shared>>) dst(%arg10 : memref<893x16xf32, #tpu.memory_space<vmem>>)
      tpu.yield
    }) : () -> ()
    %mul3A_14 = arith.constant 6251 : i32
    %mul3A_15 = arith.muli %arg1, %mul3A_14 : i32
    %add3A_16 = arith.constant 1786 : i32
    %add3A_17 = arith.addi %mul3A_15, %add3A_16 : i32
    "tpu.region"() ({
      %run_scoped3A = tpu.sem_alloc : memref<!tpu.dma_semaphore, #tpu.memory_space<semaphore_mem>>
      %dma_start3A_121 = arith.constant 0 : i32
      %dma_start3A_122 = tpu.memref_slice %arg11[%add3A_17, %dma_start3A_121] : memref<100016x16xf32, #tpu.memory_space<vmem_shared>> -> memref<893x16xf32, #tpu.memory_space<vmem_shared>>
      %dma_start3A_123 = arith.constant 0 : i32
      %dma_start3A_124 = tpu.memref_slice %arg11[%add3A_17, %dma_start3A_123] : memref<100016x16xf32, #tpu.memory_space<vmem_shared>> -> memref<893x16xf32, #tpu.memory_space<vmem_shared>>
      tpu.enqueue_dma source(%dma_start3A_124 : memref<893x16xf32, #tpu.memory_space<vmem_shared>>) target(%arg10 : memref<893x16xf32, #tpu.memory_space<vmem>>) target_semaphore(%run_scoped3A : memref<!tpu.dma_semaphore, #tpu.memory_space<semaphore_mem>>)
      %dma_wait3A = arith.constant 0 : i32
      %dma_wait3A_125 = tpu.memref_slice %arg11[%add3A_17, %dma_wait3A] : memref<100016x16xf32, #tpu.memory_space<vmem_shared>> -> memref<893x16xf32, #tpu.memory_space<vmem_shared>>
      %dma_wait3A_126 = arith.constant 0 : i32
      %dma_wait3A_127 = tpu.memref_slice %arg11[%add3A_17, %dma_wait3A_126] : memref<100016x16xf32, #tpu.memory_space<vmem_shared>> -> memref<893x16xf32, #tpu.memory_space<vmem_shared>>
      tpu.wait_dma2 semaphore(%run_scoped3A : memref<!tpu.dma_semaphore, #tpu.memory_space<semaphore_mem>>) src(%dma_wait3A_127 : memref<893x16xf32, #tpu.memory_space<vmem_shared>>) dst(%arg10 : memref<893x16xf32, #tpu.memory_space<vmem>>)
      tpu.yield
    }) : () -> ()
    %mul3A_18 = arith.constant 6251 : i32
    %mul3A_19 = arith.muli %arg1, %mul3A_18 : i32
    %add3A_20 = arith.constant 2679 : i32
    %add3A_21 = arith.addi %mul3A_19, %add3A_20 : i32
    "tpu.region"() ({
      %run_scoped3A = tpu.sem_alloc : memref<!tpu.dma_semaphore, #tpu.memory_space<semaphore_mem>>
      %dma_start3A_121 = arith.constant 0 : i32
      %dma_start3A_122 = tpu.memref_slice %arg11[%add3A_21, %dma_start3A_121] : memref<100016x16xf32, #tpu.memory_space<vmem_shared>> -> memref<893x16xf32, #tpu.memory_space<vmem_shared>>
      %dma_start3A_123 = arith.constant 0 : i32
      %dma_start3A_124 = tpu.memref_slice %arg11[%add3A_21, %dma_start3A_123] : memref<100016x16xf32, #tpu.memory_space<vmem_shared>> -> memref<893x16xf32, #tpu.memory_space<vmem_shared>>
      tpu.enqueue_dma source(%dma_start3A_124 : memref<893x16xf32, #tpu.memory_space<vmem_shared>>) target(%arg10 : memref<893x16xf32, #tpu.memory_space<vmem>>) target_semaphore(%run_scoped3A : memref<!tpu.dma_semaphore, #tpu.memory_space<semaphore_mem>>)
      %dma_wait3A = arith.constant 0 : i32
      %dma_wait3A_125 = tpu.memref_slice %arg11[%add3A_21, %dma_wait3A] : memref<100016x16xf32, #tpu.memory_space<vmem_shared>> -> memref<893x16xf32, #tpu.memory_space<vmem_shared>>
      %dma_wait3A_126 = arith.constant 0 : i32
      %dma_wait3A_127 = tpu.memref_slice %arg11[%add3A_21, %dma_wait3A_126] : memref<100016x16xf32, #tpu.memory_space<vmem_shared>> -> memref<893x16xf32, #tpu.memory_space<vmem_shared>>
      tpu.wait_dma2 semaphore(%run_scoped3A : memref<!tpu.dma_semaphore, #tpu.memory_space<semaphore_mem>>) src(%dma_wait3A_127 : memref<893x16xf32, #tpu.memory_space<vmem_shared>>) dst(%arg10 : memref<893x16xf32, #tpu.memory_space<vmem>>)
      tpu.yield
    }) : () -> ()
    %mul3A_22 = arith.constant 6251 : i32
    %mul3A_23 = arith.muli %arg1, %mul3A_22 : i32
    %add3A_24 = arith.constant 3572 : i32
    %add3A_25 = arith.addi %mul3A_23, %add3A_24 : i32
    "tpu.region"() ({
      %run_scoped3A = tpu.sem_alloc : memref<!tpu.dma_semaphore, #tpu.memory_space<semaphore_mem>>
      %dma_start3A_121 = arith.constant 0 : i32
      %dma_start3A_122 = tpu.memref_slice %arg11[%add3A_25, %dma_start3A_121] : memref<100016x16xf32, #tpu.memory_space<vmem_shared>> -> memref<893x16xf32, #tpu.memory_space<vmem_shared>>
      %dma_start3A_123 = arith.constant 0 : i32
      %dma_start3A_124 = tpu.memref_slice %arg11[%add3A_25, %dma_start3A_123] : memref<100016x16xf32, #tpu.memory_space<vmem_shared>> -> memref<893x16xf32, #tpu.memory_space<vmem_shared>>
      tpu.enqueue_dma source(%dma_start3A_124 : memref<893x16xf32, #tpu.memory_space<vmem_shared>>) target(%arg10 : memref<893x16xf32, #tpu.memory_space<vmem>>) target_semaphore(%run_scoped3A : memref<!tpu.dma_semaphore, #tpu.memory_space<semaphore_mem>>)
      %dma_wait3A = arith.constant 0 : i32
      %dma_wait3A_125 = tpu.memref_slice %arg11[%add3A_25, %dma_wait3A] : memref<100016x16xf32, #tpu.memory_space<vmem_shared>> -> memref<893x16xf32, #tpu.memory_space<vmem_shared>>
      %dma_wait3A_126 = arith.constant 0 : i32
      %dma_wait3A_127 = tpu.memref_slice %arg11[%add3A_25, %dma_wait3A_126] : memref<100016x16xf32, #tpu.memory_space<vmem_shared>> -> memref<893x16xf32, #tpu.memory_space<vmem_shared>>
      tpu.wait_dma2 semaphore(%run_scoped3A : memref<!tpu.dma_semaphore, #tpu.memory_space<semaphore_mem>>) src(%dma_wait3A_127 : memref<893x16xf32, #tpu.memory_space<vmem_shared>>) dst(%arg10 : memref<893x16xf32, #tpu.memory_space<vmem>>)
      tpu.yield
    }) : () -> ()
    %mul3A_26 = arith.constant 6251 : i32
    %mul3A_27 = arith.muli %arg1, %mul3A_26 : i32
    %add3A_28 = arith.constant 4465 : i32
    %add3A_29 = arith.addi %mul3A_27, %add3A_28 : i32
    "tpu.region"() ({
      %run_scoped3A = tpu.sem_alloc : memref<!tpu.dma_semaphore, #tpu.memory_space<semaphore_mem>>
      %dma_start3A_121 = arith.constant 0 : i32
      %dma_start3A_122 = tpu.memref_slice %arg11[%add3A_29, %dma_start3A_121] : memref<100016x16xf32, #tpu.memory_space<vmem_shared>> -> memref<893x16xf32, #tpu.memory_space<vmem_shared>>
      %dma_start3A_123 = arith.constant 0 : i32
      %dma_start3A_124 = tpu.memref_slice %arg11[%add3A_29, %dma_start3A_123] : memref<100016x16xf32, #tpu.memory_space<vmem_shared>> -> memref<893x16xf32, #tpu.memory_space<vmem_shared>>
      tpu.enqueue_dma source(%dma_start3A_124 : memref<893x16xf32, #tpu.memory_space<vmem_shared>>) target(%arg10 : memref<893x16xf32, #tpu.memory_space<vmem>>) target_semaphore(%run_scoped3A : memref<!tpu.dma_semaphore, #tpu.memory_space<semaphore_mem>>)
      %dma_wait3A = arith.constant 0 : i32
      %dma_wait3A_125 = tpu.memref_slice %arg11[%add3A_29, %dma_wait3A] : memref<100016x16xf32, #tpu.memory_space<vmem_shared>> -> memref<893x16xf32, #tpu.memory_space<vmem_shared>>
      %dma_wait3A_126 = arith.constant 0 : i32
      %dma_wait3A_127 = tpu.memref_slice %arg11[%add3A_29, %dma_wait3A_126] : memref<100016x16xf32, #tpu.memory_space<vmem_shared>> -> memref<893x16xf32, #tpu.memory_space<vmem_shared>>
      tpu.wait_dma2 semaphore(%run_scoped3A : memref<!tpu.dma_semaphore, #tpu.memory_space<semaphore_mem>>) src(%dma_wait3A_127 : memref<893x16xf32, #tpu.memory_space<vmem_shared>>) dst(%arg10 : memref<893x16xf32, #tpu.memory_space<vmem>>)
      tpu.yield
    }) : () -> ()
    %mul3A_30 = arith.constant 6251 : i32
    %mul3A_31 = arith.muli %arg1, %mul3A_30 : i32
    %add3A_32 = arith.constant 5358 : i32
    %add3A_33 = arith.addi %mul3A_31, %add3A_32 : i32
    "tpu.region"() ({
      %run_scoped3A = tpu.sem_alloc : memref<!tpu.dma_semaphore, #tpu.memory_space<semaphore_mem>>
      %dma_start3A_121 = arith.constant 0 : i32
      %dma_start3A_122 = tpu.memref_slice %arg11[%add3A_33, %dma_start3A_121] : memref<100016x16xf32, #tpu.memory_space<vmem_shared>> -> memref<893x16xf32, #tpu.memory_space<vmem_shared>>
      %dma_start3A_123 = arith.constant 0 : i32
      %dma_start3A_124 = tpu.memref_slice %arg11[%add3A_33, %dma_start3A_123] : memref<100016x16xf32, #tpu.memory_space<vmem_shared>> -> memref<893x16xf32, #tpu.memory_space<vmem_shared>>
      tpu.enqueue_dma source(%dma_start3A_124 : memref<893x16xf32, #tpu.memory_space<vmem_shared>>) target(%arg10 : memref<893x16xf32, #tpu.memory_space<vmem>>) target_semaphore(%run_scoped3A : memref<!tpu.dma_semaphore, #tpu.memory_space<semaphore_mem>>)
      %dma_wait3A = arith.constant 0 : i32
      %dma_wait3A_125 = tpu.memref_slice %arg11[%add3A_33, %dma_wait3A] : memref<100016x16xf32, #tpu.memory_space<vmem_shared>> -> memref<893x16xf32, #tpu.memory_space<vmem_shared>>
      %dma_wait3A_126 = arith.constant 0 : i32
      %dma_wait3A_127 = tpu.memref_slice %arg11[%add3A_33, %dma_wait3A_126] : memref<100016x16xf32, #tpu.memory_space<vmem_shared>> -> memref<893x16xf32, #tpu.memory_space<vmem_shared>>
      tpu.wait_dma2 semaphore(%run_scoped3A : memref<!tpu.dma_semaphore, #tpu.memory_space<semaphore_mem>>) src(%dma_wait3A_127 : memref<893x16xf32, #tpu.memory_space<vmem_shared>>) dst(%arg10 : memref<893x16xf32, #tpu.memory_space<vmem>>)
      tpu.yield
    }) : () -> ()
    %barrier3A = arith.constant 0 : index
    tpu.barrier barrier_id(%barrier3A)
    %mul3A_34 = arith.constant 782 : i32
    %mul3A_35 = arith.muli %arg1, %mul3A_34 : i32
    %add3A_36 = arith.constant 0 : i32
    %add3A_37 = arith.addi %mul3A_35, %add3A_36 : i32
    %dma_start3A = arith.constant 0 : i32
    %dma_start3A_38 = tpu.memref_slice %arg2[%add3A_37, %dma_start3A] : memref<12512x128xi32, #tpu.memory_space<hbm>> -> memref<1x128xi32, #tpu.memory_space<hbm>>
    %dma_start3A_39 = tpu.memref_squeeze %dma_start3A_38 : memref<1x128xi32, #tpu.memory_space<hbm>> -> memref<128xi32, #tpu.memory_space<hbm>>
    %dma_start3A_40 = arith.constant 0 : i32
    %dma_start3A_41 = tpu.memref_slice %arg2[%add3A_37, %dma_start3A_40] : memref<12512x128xi32, #tpu.memory_space<hbm>> -> memref<1x128xi32, #tpu.memory_space<hbm>>
    %dma_start3A_42 = tpu.memref_squeeze %dma_start3A_41 : memref<1x128xi32, #tpu.memory_space<hbm>> -> memref<128xi32, #tpu.memory_space<hbm>>
    tpu.enqueue_dma source(%dma_start3A_42 : memref<128xi32, #tpu.memory_space<hbm>>) target(%arg6 : memref<128xi32, #tpu.memory_space<vmem>>) target_semaphore(%arg12 : memref<!tpu.dma_semaphore, #tpu.memory_space<semaphore_mem>>)
    %mul3A_43 = arith.constant 128 : i32
    %mul3A_44 = arith.muli %add3A_37, %mul3A_43 : i32
    %dma_start3A_45 = tpu.memref_slice %arg3[%mul3A_44, %mul3A_3] : memref<1601536x64xf32, #tpu.memory_space<hbm>> -> memref<128x16xf32, #tpu.memory_space<hbm>>
    %dma_start3A_46 = tpu.memref_slice %arg3[%mul3A_44, %mul3A_3] : memref<1601536x64xf32, #tpu.memory_space<hbm>> -> memref<128x16xf32, #tpu.memory_space<hbm>>
    tpu.enqueue_dma source(%dma_start3A_46 : memref<128x16xf32, #tpu.memory_space<hbm>>) target(%arg8 : memref<128x16xf32, #tpu.memory_space<vmem>>) target_semaphore(%arg14 : memref<!tpu.dma_semaphore, #tpu.memory_space<semaphore_mem>>)
    %scan3A = arith.constant 0 : i32
    %scan3A_47 = arith.constant 0 : i32
    %scan3A_48 = arith.constant 391 : i32
    %scan3A_49 = arith.addi %scan3A_47, %scan3A_48 : i32
    %scan3A_50 = arith.constant 1 : i32
    scf.for %scan3A_121 = %scan3A_47 to %scan3A_49 step %scan3A_50  : i32 {
      %mul3A_122 = arith.constant 2 : i32
      %mul3A_123 = arith.muli %mul3A_122, %scan3A_121 : i32
      %add3A_124 = arith.constant 1 : i32
      %add3A_125 = arith.addi %mul3A_123, %add3A_124 : i32
      %mul3A_126 = arith.constant 782 : i32
      %mul3A_127 = arith.muli %arg1, %mul3A_126 : i32
      %add3A_128 = arith.addi %mul3A_127, %add3A_125 : i32
      %dma_start3A_129 = arith.constant 0 : i32
      %dma_start3A_130 = tpu.memref_slice %arg2[%add3A_128, %dma_start3A_129] : memref<12512x128xi32, #tpu.memory_space<hbm>> -> memref<1x128xi32, #tpu.memory_space<hbm>>
      %dma_start3A_131 = tpu.memref_squeeze %dma_start3A_130 : memref<1x128xi32, #tpu.memory_space<hbm>> -> memref<128xi32, #tpu.memory_space<hbm>>
      %dma_start3A_132 = arith.constant 0 : i32
      %dma_start3A_133 = tpu.memref_slice %arg2[%add3A_128, %dma_start3A_132] : memref<12512x128xi32, #tpu.memory_space<hbm>> -> memref<1x128xi32, #tpu.memory_space<hbm>>
      %dma_start3A_134 = tpu.memref_squeeze %dma_start3A_133 : memref<1x128xi32, #tpu.memory_space<hbm>> -> memref<128xi32, #tpu.memory_space<hbm>>
      tpu.enqueue_dma source(%dma_start3A_134 : memref<128xi32, #tpu.memory_space<hbm>>) target(%arg7 : memref<128xi32, #tpu.memory_space<vmem>>) target_semaphore(%arg13 : memref<!tpu.dma_semaphore, #tpu.memory_space<semaphore_mem>>)
      %mul3A_135 = arith.constant 128 : i32
      %mul3A_136 = arith.muli %add3A_128, %mul3A_135 : i32
      %dma_start3A_137 = tpu.memref_slice %arg3[%mul3A_136, %mul3A_3] : memref<1601536x64xf32, #tpu.memory_space<hbm>> -> memref<128x16xf32, #tpu.memory_space<hbm>>
      %dma_start3A_138 = tpu.memref_slice %arg3[%mul3A_136, %mul3A_3] : memref<1601536x64xf32, #tpu.memory_space<hbm>> -> memref<128x16xf32, #tpu.memory_space<hbm>>
      tpu.enqueue_dma source(%dma_start3A_138 : memref<128x16xf32, #tpu.memory_space<hbm>>) target(%arg9 : memref<128x16xf32, #tpu.memory_space<vmem>>) target_semaphore(%arg15 : memref<!tpu.dma_semaphore, #tpu.memory_space<semaphore_mem>>)
      %dma_wait3A = arith.constant 0 : i32
      %dma_wait3A_139 = arith.constant 0 : i32
      %dma_wait3A_140 = tpu.memref_slice %arg2[%dma_wait3A, %dma_wait3A_139] : memref<12512x128xi32, #tpu.memory_space<hbm>> -> memref<1x128xi32, #tpu.memory_space<hbm>>
      %dma_wait3A_141 = tpu.memref_squeeze %dma_wait3A_140 : memref<1x128xi32, #tpu.memory_space<hbm>> -> memref<128xi32, #tpu.memory_space<hbm>>
      %dma_wait3A_142 = arith.constant 0 : i32
      %dma_wait3A_143 = tpu.memref_slice %arg2[%dma_wait3A, %dma_wait3A_142] : memref<12512x128xi32, #tpu.memory_space<hbm>> -> memref<1x128xi32, #tpu.memory_space<hbm>>
      %dma_wait3A_144 = tpu.memref_squeeze %dma_wait3A_143 : memref<1x128xi32, #tpu.memory_space<hbm>> -> memref<128xi32, #tpu.memory_space<hbm>>
      tpu.wait_dma2 semaphore(%arg12 : memref<!tpu.dma_semaphore, #tpu.memory_space<semaphore_mem>>) src(%dma_wait3A_144 : memref<128xi32, #tpu.memory_space<hbm>>) dst(%arg6 : memref<128xi32, #tpu.memory_space<vmem>>)
      %dma_wait3A_145 = arith.constant 0 : i32
      %dma_wait3A_146 = arith.constant 0 : i32
      %dma_wait3A_147 = tpu.memref_slice %arg3[%dma_wait3A_145, %dma_wait3A_146] : memref<1601536x64xf32, #tpu.memory_space<hbm>> -> memref<128x16xf32, #tpu.memory_space<hbm>>
      %dma_wait3A_148 = arith.constant 0 : i32
      %dma_wait3A_149 = arith.constant 0 : i32
      %dma_wait3A_150 = tpu.memref_slice %arg3[%dma_wait3A_148, %dma_wait3A_149] : memref<1601536x64xf32, #tpu.memory_space<hbm>> -> memref<128x16xf32, #tpu.memory_space<hbm>>
      tpu.wait_dma2 semaphore(%arg14 : memref<!tpu.dma_semaphore, #tpu.memory_space<semaphore_mem>>) src(%dma_wait3A_150 : memref<128x16xf32, #tpu.memory_space<hbm>>) dst(%arg8 : memref<128x16xf32, #tpu.memory_space<vmem>>)
      "tpu.region"() ({
        %run_scoped3A = tpu.sem_alloc : memref<!tpu.dma_semaphore, #tpu.memory_space<semaphore_mem>>
        %dma_start3A_168 = arith.constant 0 : i32
        %dma_start3A_169 = arith.constant 0 : i32
        %dma_start3A_170 = tpu.memref_slice %arg11[%dma_start3A_168, %dma_start3A_169] : memref<100016x16xf32, #tpu.memory_space<vmem_shared>> -> memref<100016x16xf32, #tpu.memory_space<vmem_shared>>
        tpu.enqueue_indirect_dma source(%arg8 : memref<128x16xf32, #tpu.memory_space<vmem>>) target(%dma_start3A_170 : memref<100016x16xf32, #tpu.memory_space<vmem_shared>>) offsets(%arg6 : memref<128xi32, #tpu.memory_space<vmem>>) semaphore(%run_scoped3A : memref<!tpu.dma_semaphore, #tpu.memory_space<semaphore_mem>>) {add = true}
        %dma_wait3A_171 = arith.constant 0 : i32
        %dma_wait3A_172 = arith.constant 0 : i32
        %dma_wait3A_173 = tpu.memref_slice %arg11[%dma_wait3A_171, %dma_wait3A_172] : memref<100016x16xf32, #tpu.memory_space<vmem_shared>> -> memref<100016x16xf32, #tpu.memory_space<vmem_shared>>
        tpu.wait_indirect_dma semaphore(%run_scoped3A : memref<!tpu.dma_semaphore, #tpu.memory_space<semaphore_mem>>) src(%arg8 : memref<128x16xf32, #tpu.memory_space<vmem>>) dst(%dma_wait3A_173 : memref<100016x16xf32, #tpu.memory_space<vmem_shared>>)
        tpu.yield
      }) : () -> ()
      %add3A_151 = arith.constant 2 : i32
      %add3A_152 = arith.addi %mul3A_123, %add3A_151 : i32
      %lt3A = arith.constant 782 : i32
      %lt3A_153 = arith.cmpi slt, %add3A_152, %lt3A : i32
      %convert_element_type3A = arith.extui %lt3A_153 : i1 to i32
      %cond3A = arith.constant 0 : i32
      %cond3A_154 = arith.cmpi ne, %convert_element_type3A, %cond3A : i32
      scf.if %cond3A_154 {
        %add3A_168 = arith.constant 2 : i32
        %add3A_169 = arith.addi %mul3A_123, %add3A_168 : i32
        %mul3A_170 = arith.constant 782 : i32
        %mul3A_171 = arith.muli %arg1, %mul3A_170 : i32
        %add3A_172 = arith.addi %mul3A_171, %add3A_169 : i32
        %dma_start3A_173 = arith.constant 0 : i32
        %dma_start3A_174 = tpu.memref_slice %arg2[%add3A_172, %dma_start3A_173] : memref<12512x128xi32, #tpu.memory_space<hbm>> -> memref<1x128xi32, #tpu.memory_space<hbm>>
        %dma_start3A_175 = tpu.memref_squeeze %dma_start3A_174 : memref<1x128xi32, #tpu.memory_space<hbm>> -> memref<128xi32, #tpu.memory_space<hbm>>
        %dma_start3A_176 = arith.constant 0 : i32
        %dma_start3A_177 = tpu.memref_slice %arg2[%add3A_172, %dma_start3A_176] : memref<12512x128xi32, #tpu.memory_space<hbm>> -> memref<1x128xi32, #tpu.memory_space<hbm>>
        %dma_start3A_178 = tpu.memref_squeeze %dma_start3A_177 : memref<1x128xi32, #tpu.memory_space<hbm>> -> memref<128xi32, #tpu.memory_space<hbm>>
        tpu.enqueue_dma source(%dma_start3A_178 : memref<128xi32, #tpu.memory_space<hbm>>) target(%arg6 : memref<128xi32, #tpu.memory_space<vmem>>) target_semaphore(%arg12 : memref<!tpu.dma_semaphore, #tpu.memory_space<semaphore_mem>>)
        %mul3A_179 = arith.constant 128 : i32
        %mul3A_180 = arith.muli %add3A_172, %mul3A_179 : i32
        %dma_start3A_181 = tpu.memref_slice %arg3[%mul3A_180, %mul3A_3] : memref<1601536x64xf32, #tpu.memory_space<hbm>> -> memref<128x16xf32, #tpu.memory_space<hbm>>
        %dma_start3A_182 = tpu.memref_slice %arg3[%mul3A_180, %mul3A_3] : memref<1601536x64xf32, #tpu.memory_space<hbm>> -> memref<128x16xf32, #tpu.memory_space<hbm>>
        tpu.enqueue_dma source(%dma_start3A_182 : memref<128x16xf32, #tpu.memory_space<hbm>>) target(%arg8 : memref<128x16xf32, #tpu.memory_space<vmem>>) target_semaphore(%arg14 : memref<!tpu.dma_semaphore, #tpu.memory_space<semaphore_mem>>)
      } else {
      }
      %dma_wait3A_155 = arith.constant 0 : i32
      %dma_wait3A_156 = arith.constant 0 : i32
      %dma_wait3A_157 = tpu.memref_slice %arg2[%dma_wait3A_155, %dma_wait3A_156] : memref<12512x128xi32, #tpu.memory_space<hbm>> -> memref<1x128xi32, #tpu.memory_space<hbm>>
      %dma_wait3A_158 = tpu.memref_squeeze %dma_wait3A_157 : memref<1x128xi32, #tpu.memory_space<hbm>> -> memref<128xi32, #tpu.memory_space<hbm>>
      %dma_wait3A_159 = arith.constant 0 : i32
      %dma_wait3A_160 = tpu.memref_slice %arg2[%dma_wait3A_155, %dma_wait3A_159] : memref<12512x128xi32, #tpu.memory_space<hbm>> -> memref<1x128xi32, #tpu.memory_space<hbm>>
      %dma_wait3A_161 = tpu.memref_squeeze %dma_wait3A_160 : memref<1x128xi32, #tpu.memory_space<hbm>> -> memref<128xi32, #tpu.memory_space<hbm>>
      tpu.wait_dma2 semaphore(%arg13 : memref<!tpu.dma_semaphore, #tpu.memory_space<semaphore_mem>>) src(%dma_wait3A_161 : memref<128xi32, #tpu.memory_space<hbm>>) dst(%arg7 : memref<128xi32, #tpu.memory_space<vmem>>)
      %dma_wait3A_162 = arith.constant 0 : i32
      %dma_wait3A_163 = arith.constant 0 : i32
      %dma_wait3A_164 = tpu.memref_slice %arg3[%dma_wait3A_162, %dma_wait3A_163] : memref<1601536x64xf32, #tpu.memory_space<hbm>> -> memref<128x16xf32, #tpu.memory_space<hbm>>
      %dma_wait3A_165 = arith.constant 0 : i32
      %dma_wait3A_166 = arith.constant 0 : i32
      %dma_wait3A_167 = tpu.memref_slice %arg3[%dma_wait3A_165, %dma_wait3A_166] : memref<1601536x64xf32, #tpu.memory_space<hbm>> -> memref<128x16xf32, #tpu.memory_space<hbm>>
      tpu.wait_dma2 semaphore(%arg15 : memref<!tpu.dma_semaphore, #tpu.memory_space<semaphore_mem>>) src(%dma_wait3A_167 : memref<128x16xf32, #tpu.memory_space<hbm>>) dst(%arg9 : memref<128x16xf32, #tpu.memory_space<vmem>>)
      "tpu.region"() ({
        %run_scoped3A = tpu.sem_alloc : memref<!tpu.dma_semaphore, #tpu.memory_space<semaphore_mem>>
        %dma_start3A_168 = arith.constant 0 : i32
        %dma_start3A_169 = arith.constant 0 : i32
        %dma_start3A_170 = tpu.memref_slice %arg11[%dma_start3A_168, %dma_start3A_169] : memref<100016x16xf32, #tpu.memory_space<vmem_shared>> -> memref<100016x16xf32, #tpu.memory_space<vmem_shared>>
        tpu.enqueue_indirect_dma source(%arg9 : memref<128x16xf32, #tpu.memory_space<vmem>>) target(%dma_start3A_170 : memref<100016x16xf32, #tpu.memory_space<vmem_shared>>) offsets(%arg7 : memref<128xi32, #tpu.memory_space<vmem>>) semaphore(%run_scoped3A : memref<!tpu.dma_semaphore, #tpu.memory_space<semaphore_mem>>) {add = true}
        %dma_wait3A_171 = arith.constant 0 : i32
        %dma_wait3A_172 = arith.constant 0 : i32
        %dma_wait3A_173 = tpu.memref_slice %arg11[%dma_wait3A_171, %dma_wait3A_172] : memref<100016x16xf32, #tpu.memory_space<vmem_shared>> -> memref<100016x16xf32, #tpu.memory_space<vmem_shared>>
        tpu.wait_indirect_dma semaphore(%run_scoped3A : memref<!tpu.dma_semaphore, #tpu.memory_space<semaphore_mem>>) src(%arg9 : memref<128x16xf32, #tpu.memory_space<vmem>>) dst(%dma_wait3A_173 : memref<100016x16xf32, #tpu.memory_space<vmem_shared>>)
        tpu.yield
      }) : () -> ()
    }
    %scan3A_51 = arith.constant 391 : i32
    %barrier3A_52 = arith.constant 0 : index
    tpu.barrier barrier_id(%barrier3A_52)
    %mul3A_53 = arith.constant 6250 : i32
    %mul3A_54 = arith.muli %arg1, %mul3A_53 : i32
    %mul3A_55 = arith.constant 6250 : i32
    %mul3A_56 = arith.muli %arg1, %mul3A_55 : i32
    "tpu.region"() ({
      %run_scoped3A = tpu.sem_alloc : memref<!tpu.dma_semaphore, #tpu.memory_space<semaphore_mem>>
      %dma_start3A_121 = tpu.memref_slice %arg5[%mul3A_56, %mul3A_3] : memref<100000x64xf32, #tpu.memory_space<hbm>> -> memref<6250x16xf32, #tpu.memory_space<hbm>>
      %dma_start3A_122 = arith.constant 0 : i32
      %dma_start3A_123 = tpu.memref_slice %arg11[%mul3A_54, %dma_start3A_122] : memref<100016x16xf32, #tpu.memory_space<vmem_shared>> -> memref<6250x16xf32, #tpu.memory_space<vmem_shared>>
      tpu.enqueue_dma source(%dma_start3A_123 : memref<6250x16xf32, #tpu.memory_space<vmem_shared>>) target(%dma_start3A_121 : memref<6250x16xf32, #tpu.memory_space<hbm>>) target_semaphore(%run_scoped3A : memref<!tpu.dma_semaphore, #tpu.memory_space<semaphore_mem>>)
      %dma_wait3A = tpu.memref_slice %arg5[%mul3A_56, %mul3A_3] : memref<100000x64xf32, #tpu.memory_space<hbm>> -> memref<6250x16xf32, #tpu.memory_space<hbm>>
      %dma_wait3A_124 = arith.constant 0 : i32
      %dma_wait3A_125 = tpu.memref_slice %arg11[%mul3A_54, %dma_wait3A_124] : memref<100016x16xf32, #tpu.memory_space<vmem_shared>> -> memref<6250x16xf32, #tpu.memory_space<vmem_shared>>
      tpu.wait_dma2 semaphore(%run_scoped3A : memref<!tpu.dma_semaphore, #tpu.memory_space<semaphore_mem>>) src(%dma_wait3A_125 : memref<6250x16xf32, #tpu.memory_space<vmem_shared>>) dst(%dma_wait3A : memref<6250x16xf32, #tpu.memory_space<hbm>>)
      tpu.yield
    }) : () -> ()
    %barrier3A_57 = arith.constant 0 : index
    tpu.barrier barrier_id(%barrier3A_57)
    %mul3A_58 = arith.constant 2 : i32
    %mul3A_59 = arith.muli %mul3A_58, %arg0 : i32
    %add3A_60 = arith.constant 1 : i32
    %add3A_61 = arith.addi %mul3A_59, %add3A_60 : i32
    %mul3A_62 = arith.constant 16 : i32
    %mul3A_63 = arith.muli %add3A_61, %mul3A_62 : i32
    %mul3A_64 = arith.constant 6251 : i32
    %mul3A_65 = arith.muli %arg1, %mul3A_64 : i32
    "tpu.region"() ({
      %run_scoped3A = tpu.sem_alloc : memref<!tpu.dma_semaphore, #tpu.memory_space<semaphore_mem>>
      %dma_start3A_121 = arith.constant 0 : i32
      %dma_start3A_122 = tpu.memref_slice %arg11[%mul3A_65, %dma_start3A_121] : memref<100016x16xf32, #tpu.memory_space<vmem_shared>> -> memref<6251x16xf32, #tpu.memory_space<vmem_shared>>
      tpu.enqueue_dma source(%arg4 : memref<6251x16xf32, #tpu.memory_space<hbm>>) target(%dma_start3A_122 : memref<6251x16xf32, #tpu.memory_space<vmem_shared>>) target_semaphore(%run_scoped3A : memref<!tpu.dma_semaphore, #tpu.memory_space<semaphore_mem>>)
      %dma_wait3A = arith.constant 0 : i32
      %dma_wait3A_123 = tpu.memref_slice %arg11[%mul3A_65, %dma_wait3A] : memref<100016x16xf32, #tpu.memory_space<vmem_shared>> -> memref<6251x16xf32, #tpu.memory_space<vmem_shared>>
      tpu.wait_dma2 semaphore(%run_scoped3A : memref<!tpu.dma_semaphore, #tpu.memory_space<semaphore_mem>>) src(%arg4 : memref<6251x16xf32, #tpu.memory_space<hbm>>) dst(%dma_wait3A_123 : memref<6251x16xf32, #tpu.memory_space<vmem_shared>>)
      tpu.yield
    }) : () -> ()
    %mul3A_66 = arith.constant 6251 : i32
    %mul3A_67 = arith.muli %arg1, %mul3A_66 : i32
    %add3A_68 = arith.constant 0 : i32
    %add3A_69 = arith.addi %mul3A_67, %add3A_68 : i32
    "tpu.region"() ({
      %run_scoped3A = tpu.sem_alloc : memref<!tpu.dma_semaphore, #tpu.memory_space<semaphore_mem>>
      %dma_start3A_121 = arith.constant 0 : i32
      %dma_start3A_122 = tpu.memref_slice %arg11[%add3A_69, %dma_start3A_121] : memref<100016x16xf32, #tpu.memory_space<vmem_shared>> -> memref<893x16xf32, #tpu.memory_space<vmem_shared>>
      %dma_start3A_123 = arith.constant 0 : i32
      %dma_start3A_124 = tpu.memref_slice %arg11[%add3A_69, %dma_start3A_123] : memref<100016x16xf32, #tpu.memory_space<vmem_shared>> -> memref<893x16xf32, #tpu.memory_space<vmem_shared>>
      tpu.enqueue_dma source(%dma_start3A_124 : memref<893x16xf32, #tpu.memory_space<vmem_shared>>) target(%arg10 : memref<893x16xf32, #tpu.memory_space<vmem>>) target_semaphore(%run_scoped3A : memref<!tpu.dma_semaphore, #tpu.memory_space<semaphore_mem>>)
      %dma_wait3A = arith.constant 0 : i32
      %dma_wait3A_125 = tpu.memref_slice %arg11[%add3A_69, %dma_wait3A] : memref<100016x16xf32, #tpu.memory_space<vmem_shared>> -> memref<893x16xf32, #tpu.memory_space<vmem_shared>>
      %dma_wait3A_126 = arith.constant 0 : i32
      %dma_wait3A_127 = tpu.memref_slice %arg11[%add3A_69, %dma_wait3A_126] : memref<100016x16xf32, #tpu.memory_space<vmem_shared>> -> memref<893x16xf32, #tpu.memory_space<vmem_shared>>
      tpu.wait_dma2 semaphore(%run_scoped3A : memref<!tpu.dma_semaphore, #tpu.memory_space<semaphore_mem>>) src(%dma_wait3A_127 : memref<893x16xf32, #tpu.memory_space<vmem_shared>>) dst(%arg10 : memref<893x16xf32, #tpu.memory_space<vmem>>)
      tpu.yield
    }) : () -> ()
    %mul3A_70 = arith.constant 6251 : i32
    %mul3A_71 = arith.muli %arg1, %mul3A_70 : i32
    %add3A_72 = arith.constant 893 : i32
    %add3A_73 = arith.addi %mul3A_71, %add3A_72 : i32
    "tpu.region"() ({
      %run_scoped3A = tpu.sem_alloc : memref<!tpu.dma_semaphore, #tpu.memory_space<semaphore_mem>>
      %dma_start3A_121 = arith.constant 0 : i32
      %dma_start3A_122 = tpu.memref_slice %arg11[%add3A_73, %dma_start3A_121] : memref<100016x16xf32, #tpu.memory_space<vmem_shared>> -> memref<893x16xf32, #tpu.memory_space<vmem_shared>>
      %dma_start3A_123 = arith.constant 0 : i32
      %dma_start3A_124 = tpu.memref_slice %arg11[%add3A_73, %dma_start3A_123] : memref<100016x16xf32, #tpu.memory_space<vmem_shared>> -> memref<893x16xf32, #tpu.memory_space<vmem_shared>>
      tpu.enqueue_dma source(%dma_start3A_124 : memref<893x16xf32, #tpu.memory_space<vmem_shared>>) target(%arg10 : memref<893x16xf32, #tpu.memory_space<vmem>>) target_semaphore(%run_scoped3A : memref<!tpu.dma_semaphore, #tpu.memory_space<semaphore_mem>>)
      %dma_wait3A = arith.constant 0 : i32
      %dma_wait3A_125 = tpu.memref_slice %arg11[%add3A_73, %dma_wait3A] : memref<100016x16xf32, #tpu.memory_space<vmem_shared>> -> memref<893x16xf32, #tpu.memory_space<vmem_shared>>
      %dma_wait3A_126 = arith.constant 0 : i32
      %dma_wait3A_127 = tpu.memref_slice %arg11[%add3A_73, %dma_wait3A_126] : memref<100016x16xf32, #tpu.memory_space<vmem_shared>> -> memref<893x16xf32, #tpu.memory_space<vmem_shared>>
      tpu.wait_dma2 semaphore(%run_scoped3A : memref<!tpu.dma_semaphore, #tpu.memory_space<semaphore_mem>>) src(%dma_wait3A_127 : memref<893x16xf32, #tpu.memory_space<vmem_shared>>) dst(%arg10 : memref<893x16xf32, #tpu.memory_space<vmem>>)
      tpu.yield
    }) : () -> ()
    %mul3A_74 = arith.constant 6251 : i32
    %mul3A_75 = arith.muli %arg1, %mul3A_74 : i32
    %add3A_76 = arith.constant 1786 : i32
    %add3A_77 = arith.addi %mul3A_75, %add3A_76 : i32
    "tpu.region"() ({
      %run_scoped3A = tpu.sem_alloc : memref<!tpu.dma_semaphore, #tpu.memory_space<semaphore_mem>>
      %dma_start3A_121 = arith.constant 0 : i32
      %dma_start3A_122 = tpu.memref_slice %arg11[%add3A_77, %dma_start3A_121] : memref<100016x16xf32, #tpu.memory_space<vmem_shared>> -> memref<893x16xf32, #tpu.memory_space<vmem_shared>>
      %dma_start3A_123 = arith.constant 0 : i32
      %dma_start3A_124 = tpu.memref_slice %arg11[%add3A_77, %dma_start3A_123] : memref<100016x16xf32, #tpu.memory_space<vmem_shared>> -> memref<893x16xf32, #tpu.memory_space<vmem_shared>>
      tpu.enqueue_dma source(%dma_start3A_124 : memref<893x16xf32, #tpu.memory_space<vmem_shared>>) target(%arg10 : memref<893x16xf32, #tpu.memory_space<vmem>>) target_semaphore(%run_scoped3A : memref<!tpu.dma_semaphore, #tpu.memory_space<semaphore_mem>>)
      %dma_wait3A = arith.constant 0 : i32
      %dma_wait3A_125 = tpu.memref_slice %arg11[%add3A_77, %dma_wait3A] : memref<100016x16xf32, #tpu.memory_space<vmem_shared>> -> memref<893x16xf32, #tpu.memory_space<vmem_shared>>
      %dma_wait3A_126 = arith.constant 0 : i32
      %dma_wait3A_127 = tpu.memref_slice %arg11[%add3A_77, %dma_wait3A_126] : memref<100016x16xf32, #tpu.memory_space<vmem_shared>> -> memref<893x16xf32, #tpu.memory_space<vmem_shared>>
      tpu.wait_dma2 semaphore(%run_scoped3A : memref<!tpu.dma_semaphore, #tpu.memory_space<semaphore_mem>>) src(%dma_wait3A_127 : memref<893x16xf32, #tpu.memory_space<vmem_shared>>) dst(%arg10 : memref<893x16xf32, #tpu.memory_space<vmem>>)
      tpu.yield
    }) : () -> ()
    %mul3A_78 = arith.constant 6251 : i32
    %mul3A_79 = arith.muli %arg1, %mul3A_78 : i32
    %add3A_80 = arith.constant 2679 : i32
    %add3A_81 = arith.addi %mul3A_79, %add3A_80 : i32
    "tpu.region"() ({
      %run_scoped3A = tpu.sem_alloc : memref<!tpu.dma_semaphore, #tpu.memory_space<semaphore_mem>>
      %dma_start3A_121 = arith.constant 0 : i32
      %dma_start3A_122 = tpu.memref_slice %arg11[%add3A_81, %dma_start3A_121] : memref<100016x16xf32, #tpu.memory_space<vmem_shared>> -> memref<893x16xf32, #tpu.memory_space<vmem_shared>>
      %dma_start3A_123 = arith.constant 0 : i32
      %dma_start3A_124 = tpu.memref_slice %arg11[%add3A_81, %dma_start3A_123] : memref<100016x16xf32, #tpu.memory_space<vmem_shared>> -> memref<893x16xf32, #tpu.memory_space<vmem_shared>>
      tpu.enqueue_dma source(%dma_start3A_124 : memref<893x16xf32, #tpu.memory_space<vmem_shared>>) target(%arg10 : memref<893x16xf32, #tpu.memory_space<vmem>>) target_semaphore(%run_scoped3A : memref<!tpu.dma_semaphore, #tpu.memory_space<semaphore_mem>>)
      %dma_wait3A = arith.constant 0 : i32
      %dma_wait3A_125 = tpu.memref_slice %arg11[%add3A_81, %dma_wait3A] : memref<100016x16xf32, #tpu.memory_space<vmem_shared>> -> memref<893x16xf32, #tpu.memory_space<vmem_shared>>
      %dma_wait3A_126 = arith.constant 0 : i32
      %dma_wait3A_127 = tpu.memref_slice %arg11[%add3A_81, %dma_wait3A_126] : memref<100016x16xf32, #tpu.memory_space<vmem_shared>> -> memref<893x16xf32, #tpu.memory_space<vmem_shared>>
      tpu.wait_dma2 semaphore(%run_scoped3A : memref<!tpu.dma_semaphore, #tpu.memory_space<semaphore_mem>>) src(%dma_wait3A_127 : memref<893x16xf32, #tpu.memory_space<vmem_shared>>) dst(%arg10 : memref<893x16xf32, #tpu.memory_space<vmem>>)
      tpu.yield
    }) : () -> ()
    %mul3A_82 = arith.constant 6251 : i32
    %mul3A_83 = arith.muli %arg1, %mul3A_82 : i32
    %add3A_84 = arith.constant 3572 : i32
    %add3A_85 = arith.addi %mul3A_83, %add3A_84 : i32
    "tpu.region"() ({
      %run_scoped3A = tpu.sem_alloc : memref<!tpu.dma_semaphore, #tpu.memory_space<semaphore_mem>>
      %dma_start3A_121 = arith.constant 0 : i32
      %dma_start3A_122 = tpu.memref_slice %arg11[%add3A_85, %dma_start3A_121] : memref<100016x16xf32, #tpu.memory_space<vmem_shared>> -> memref<893x16xf32, #tpu.memory_space<vmem_shared>>
      %dma_start3A_123 = arith.constant 0 : i32
      %dma_start3A_124 = tpu.memref_slice %arg11[%add3A_85, %dma_start3A_123] : memref<100016x16xf32, #tpu.memory_space<vmem_shared>> -> memref<893x16xf32, #tpu.memory_space<vmem_shared>>
      tpu.enqueue_dma source(%dma_start3A_124 : memref<893x16xf32, #tpu.memory_space<vmem_shared>>) target(%arg10 : memref<893x16xf32, #tpu.memory_space<vmem>>) target_semaphore(%run_scoped3A : memref<!tpu.dma_semaphore, #tpu.memory_space<semaphore_mem>>)
      %dma_wait3A = arith.constant 0 : i32
      %dma_wait3A_125 = tpu.memref_slice %arg11[%add3A_85, %dma_wait3A] : memref<100016x16xf32, #tpu.memory_space<vmem_shared>> -> memref<893x16xf32, #tpu.memory_space<vmem_shared>>
      %dma_wait3A_126 = arith.constant 0 : i32
      %dma_wait3A_127 = tpu.memref_slice %arg11[%add3A_85, %dma_wait3A_126] : memref<100016x16xf32, #tpu.memory_space<vmem_shared>> -> memref<893x16xf32, #tpu.memory_space<vmem_shared>>
      tpu.wait_dma2 semaphore(%run_scoped3A : memref<!tpu.dma_semaphore, #tpu.memory_space<semaphore_mem>>) src(%dma_wait3A_127 : memref<893x16xf32, #tpu.memory_space<vmem_shared>>) dst(%arg10 : memref<893x16xf32, #tpu.memory_space<vmem>>)
      tpu.yield
    }) : () -> ()
    %mul3A_86 = arith.constant 6251 : i32
    %mul3A_87 = arith.muli %arg1, %mul3A_86 : i32
    %add3A_88 = arith.constant 4465 : i32
    %add3A_89 = arith.addi %mul3A_87, %add3A_88 : i32
    "tpu.region"() ({
      %run_scoped3A = tpu.sem_alloc : memref<!tpu.dma_semaphore, #tpu.memory_space<semaphore_mem>>
      %dma_start3A_121 = arith.constant 0 : i32
      %dma_start3A_122 = tpu.memref_slice %arg11[%add3A_89, %dma_start3A_121] : memref<100016x16xf32, #tpu.memory_space<vmem_shared>> -> memref<893x16xf32, #tpu.memory_space<vmem_shared>>
      %dma_start3A_123 = arith.constant 0 : i32
      %dma_start3A_124 = tpu.memref_slice %arg11[%add3A_89, %dma_start3A_123] : memref<100016x16xf32, #tpu.memory_space<vmem_shared>> -> memref<893x16xf32, #tpu.memory_space<vmem_shared>>
      tpu.enqueue_dma source(%dma_start3A_124 : memref<893x16xf32, #tpu.memory_space<vmem_shared>>) target(%arg10 : memref<893x16xf32, #tpu.memory_space<vmem>>) target_semaphore(%run_scoped3A : memref<!tpu.dma_semaphore, #tpu.memory_space<semaphore_mem>>)
      %dma_wait3A = arith.constant 0 : i32
      %dma_wait3A_125 = tpu.memref_slice %arg11[%add3A_89, %dma_wait3A] : memref<100016x16xf32, #tpu.memory_space<vmem_shared>> -> memref<893x16xf32, #tpu.memory_space<vmem_shared>>
      %dma_wait3A_126 = arith.constant 0 : i32
      %dma_wait3A_127 = tpu.memref_slice %arg11[%add3A_89, %dma_wait3A_126] : memref<100016x16xf32, #tpu.memory_space<vmem_shared>> -> memref<893x16xf32, #tpu.memory_space<vmem_shared>>
      tpu.wait_dma2 semaphore(%run_scoped3A : memref<!tpu.dma_semaphore, #tpu.memory_space<semaphore_mem>>) src(%dma_wait3A_127 : memref<893x16xf32, #tpu.memory_space<vmem_shared>>) dst(%arg10 : memref<893x16xf32, #tpu.memory_space<vmem>>)
      tpu.yield
    }) : () -> ()
    %mul3A_90 = arith.constant 6251 : i32
    %mul3A_91 = arith.muli %arg1, %mul3A_90 : i32
    %add3A_92 = arith.constant 5358 : i32
    %add3A_93 = arith.addi %mul3A_91, %add3A_92 : i32
    "tpu.region"() ({
      %run_scoped3A = tpu.sem_alloc : memref<!tpu.dma_semaphore, #tpu.memory_space<semaphore_mem>>
      %dma_start3A_121 = arith.constant 0 : i32
      %dma_start3A_122 = tpu.memref_slice %arg11[%add3A_93, %dma_start3A_121] : memref<100016x16xf32, #tpu.memory_space<vmem_shared>> -> memref<893x16xf32, #tpu.memory_space<vmem_shared>>
      %dma_start3A_123 = arith.constant 0 : i32
      %dma_start3A_124 = tpu.memref_slice %arg11[%add3A_93, %dma_start3A_123] : memref<100016x16xf32, #tpu.memory_space<vmem_shared>> -> memref<893x16xf32, #tpu.memory_space<vmem_shared>>
      tpu.enqueue_dma source(%dma_start3A_124 : memref<893x16xf32, #tpu.memory_space<vmem_shared>>) target(%arg10 : memref<893x16xf32, #tpu.memory_space<vmem>>) target_semaphore(%run_scoped3A : memref<!tpu.dma_semaphore, #tpu.memory_space<semaphore_mem>>)
      %dma_wait3A = arith.constant 0 : i32
      %dma_wait3A_125 = tpu.memref_slice %arg11[%add3A_93, %dma_wait3A] : memref<100016x16xf32, #tpu.memory_space<vmem_shared>> -> memref<893x16xf32, #tpu.memory_space<vmem_shared>>
      %dma_wait3A_126 = arith.constant 0 : i32
      %dma_wait3A_127 = tpu.memref_slice %arg11[%add3A_93, %dma_wait3A_126] : memref<100016x16xf32, #tpu.memory_space<vmem_shared>> -> memref<893x16xf32, #tpu.memory_space<vmem_shared>>
      tpu.wait_dma2 semaphore(%run_scoped3A : memref<!tpu.dma_semaphore, #tpu.memory_space<semaphore_mem>>) src(%dma_wait3A_127 : memref<893x16xf32, #tpu.memory_space<vmem_shared>>) dst(%arg10 : memref<893x16xf32, #tpu.memory_space<vmem>>)
      tpu.yield
    }) : () -> ()
    %barrier3A_94 = arith.constant 0 : index
    tpu.barrier barrier_id(%barrier3A_94)
    %mul3A_95 = arith.constant 782 : i32
    %mul3A_96 = arith.muli %arg1, %mul3A_95 : i32
    %add3A_97 = arith.constant 0 : i32
    %add3A_98 = arith.addi %mul3A_96, %add3A_97 : i32
    %dma_start3A_99 = arith.constant 0 : i32
    %dma_start3A_100 = tpu.memref_slice %arg2[%add3A_98, %dma_start3A_99] : memref<12512x128xi32, #tpu.memory_space<hbm>> -> memref<1x128xi32, #tpu.memory_space<hbm>>
    %dma_start3A_101 = tpu.memref_squeeze %dma_start3A_100 : memref<1x128xi32, #tpu.memory_space<hbm>> -> memref<128xi32, #tpu.memory_space<hbm>>
    %dma_start3A_102 = arith.constant 0 : i32
    %dma_start3A_103 = tpu.memref_slice %arg2[%add3A_98, %dma_start3A_102] : memref<12512x128xi32, #tpu.memory_space<hbm>> -> memref<1x128xi32, #tpu.memory_space<hbm>>
    %dma_start3A_104 = tpu.memref_squeeze %dma_start3A_103 : memref<1x128xi32, #tpu.memory_space<hbm>> -> memref<128xi32, #tpu.memory_space<hbm>>
    tpu.enqueue_dma source(%dma_start3A_104 : memref<128xi32, #tpu.memory_space<hbm>>) target(%arg6 : memref<128xi32, #tpu.memory_space<vmem>>) target_semaphore(%arg12 : memref<!tpu.dma_semaphore, #tpu.memory_space<semaphore_mem>>)
    %mul3A_105 = arith.constant 128 : i32
    %mul3A_106 = arith.muli %add3A_98, %mul3A_105 : i32
    %dma_start3A_107 = tpu.memref_slice %arg3[%mul3A_106, %mul3A_63] : memref<1601536x64xf32, #tpu.memory_space<hbm>> -> memref<128x16xf32, #tpu.memory_space<hbm>>
    %dma_start3A_108 = tpu.memref_slice %arg3[%mul3A_106, %mul3A_63] : memref<1601536x64xf32, #tpu.memory_space<hbm>> -> memref<128x16xf32, #tpu.memory_space<hbm>>
    tpu.enqueue_dma source(%dma_start3A_108 : memref<128x16xf32, #tpu.memory_space<hbm>>) target(%arg8 : memref<128x16xf32, #tpu.memory_space<vmem>>) target_semaphore(%arg14 : memref<!tpu.dma_semaphore, #tpu.memory_space<semaphore_mem>>)
    %scan3A_109 = arith.constant 0 : i32
    %scan3A_110 = arith.constant 0 : i32
    %scan3A_111 = arith.constant 391 : i32
    %scan3A_112 = arith.addi %scan3A_110, %scan3A_111 : i32
    %scan3A_113 = arith.constant 1 : i32
    scf.for %scan3A_121 = %scan3A_110 to %scan3A_112 step %scan3A_113  : i32 {
      %mul3A_122 = arith.constant 2 : i32
      %mul3A_123 = arith.muli %mul3A_122, %scan3A_121 : i32
      %add3A_124 = arith.constant 1 : i32
      %add3A_125 = arith.addi %mul3A_123, %add3A_124 : i32
      %mul3A_126 = arith.constant 782 : i32
      %mul3A_127 = arith.muli %arg1, %mul3A_126 : i32
      %add3A_128 = arith.addi %mul3A_127, %add3A_125 : i32
      %dma_start3A_129 = arith.constant 0 : i32
      %dma_start3A_130 = tpu.memref_slice %arg2[%add3A_128, %dma_start3A_129] : memref<12512x128xi32, #tpu.memory_space<hbm>> -> memref<1x128xi32, #tpu.memory_space<hbm>>
      %dma_start3A_131 = tpu.memref_squeeze %dma_start3A_130 : memref<1x128xi32, #tpu.memory_space<hbm>> -> memref<128xi32, #tpu.memory_space<hbm>>
      %dma_start3A_132 = arith.constant 0 : i32
      %dma_start3A_133 = tpu.memref_slice %arg2[%add3A_128, %dma_start3A_132] : memref<12512x128xi32, #tpu.memory_space<hbm>> -> memref<1x128xi32, #tpu.memory_space<hbm>>
      %dma_start3A_134 = tpu.memref_squeeze %dma_start3A_133 : memref<1x128xi32, #tpu.memory_space<hbm>> -> memref<128xi32, #tpu.memory_space<hbm>>
      tpu.enqueue_dma source(%dma_start3A_134 : memref<128xi32, #tpu.memory_space<hbm>>) target(%arg7 : memref<128xi32, #tpu.memory_space<vmem>>) target_semaphore(%arg13 : memref<!tpu.dma_semaphore, #tpu.memory_space<semaphore_mem>>)
      %mul3A_135 = arith.constant 128 : i32
      %mul3A_136 = arith.muli %add3A_128, %mul3A_135 : i32
      %dma_start3A_137 = tpu.memref_slice %arg3[%mul3A_136, %mul3A_63] : memref<1601536x64xf32, #tpu.memory_space<hbm>> -> memref<128x16xf32, #tpu.memory_space<hbm>>
      %dma_start3A_138 = tpu.memref_slice %arg3[%mul3A_136, %mul3A_63] : memref<1601536x64xf32, #tpu.memory_space<hbm>> -> memref<128x16xf32, #tpu.memory_space<hbm>>
      tpu.enqueue_dma source(%dma_start3A_138 : memref<128x16xf32, #tpu.memory_space<hbm>>) target(%arg9 : memref<128x16xf32, #tpu.memory_space<vmem>>) target_semaphore(%arg15 : memref<!tpu.dma_semaphore, #tpu.memory_space<semaphore_mem>>)
      %dma_wait3A = arith.constant 0 : i32
      %dma_wait3A_139 = arith.constant 0 : i32
      %dma_wait3A_140 = tpu.memref_slice %arg2[%dma_wait3A, %dma_wait3A_139] : memref<12512x128xi32, #tpu.memory_space<hbm>> -> memref<1x128xi32, #tpu.memory_space<hbm>>
      %dma_wait3A_141 = tpu.memref_squeeze %dma_wait3A_140 : memref<1x128xi32, #tpu.memory_space<hbm>> -> memref<128xi32, #tpu.memory_space<hbm>>
      %dma_wait3A_142 = arith.constant 0 : i32
      %dma_wait3A_143 = tpu.memref_slice %arg2[%dma_wait3A, %dma_wait3A_142] : memref<12512x128xi32, #tpu.memory_space<hbm>> -> memref<1x128xi32, #tpu.memory_space<hbm>>
      %dma_wait3A_144 = tpu.memref_squeeze %dma_wait3A_143 : memref<1x128xi32, #tpu.memory_space<hbm>> -> memref<128xi32, #tpu.memory_space<hbm>>
      tpu.wait_dma2 semaphore(%arg12 : memref<!tpu.dma_semaphore, #tpu.memory_space<semaphore_mem>>) src(%dma_wait3A_144 : memref<128xi32, #tpu.memory_space<hbm>>) dst(%arg6 : memref<128xi32, #tpu.memory_space<vmem>>)
      %dma_wait3A_145 = arith.constant 0 : i32
      %dma_wait3A_146 = arith.constant 0 : i32
      %dma_wait3A_147 = tpu.memref_slice %arg3[%dma_wait3A_145, %dma_wait3A_146] : memref<1601536x64xf32, #tpu.memory_space<hbm>> -> memref<128x16xf32, #tpu.memory_space<hbm>>
      %dma_wait3A_148 = arith.constant 0 : i32
      %dma_wait3A_149 = arith.constant 0 : i32
      %dma_wait3A_150 = tpu.memref_slice %arg3[%dma_wait3A_148, %dma_wait3A_149] : memref<1601536x64xf32, #tpu.memory_space<hbm>> -> memref<128x16xf32, #tpu.memory_space<hbm>>
      tpu.wait_dma2 semaphore(%arg14 : memref<!tpu.dma_semaphore, #tpu.memory_space<semaphore_mem>>) src(%dma_wait3A_150 : memref<128x16xf32, #tpu.memory_space<hbm>>) dst(%arg8 : memref<128x16xf32, #tpu.memory_space<vmem>>)
      "tpu.region"() ({
        %run_scoped3A = tpu.sem_alloc : memref<!tpu.dma_semaphore, #tpu.memory_space<semaphore_mem>>
        %dma_start3A_168 = arith.constant 0 : i32
        %dma_start3A_169 = arith.constant 0 : i32
        %dma_start3A_170 = tpu.memref_slice %arg11[%dma_start3A_168, %dma_start3A_169] : memref<100016x16xf32, #tpu.memory_space<vmem_shared>> -> memref<100016x16xf32, #tpu.memory_space<vmem_shared>>
        tpu.enqueue_indirect_dma source(%arg8 : memref<128x16xf32, #tpu.memory_space<vmem>>) target(%dma_start3A_170 : memref<100016x16xf32, #tpu.memory_space<vmem_shared>>) offsets(%arg6 : memref<128xi32, #tpu.memory_space<vmem>>) semaphore(%run_scoped3A : memref<!tpu.dma_semaphore, #tpu.memory_space<semaphore_mem>>) {add = true}
        %dma_wait3A_171 = arith.constant 0 : i32
        %dma_wait3A_172 = arith.constant 0 : i32
        %dma_wait3A_173 = tpu.memref_slice %arg11[%dma_wait3A_171, %dma_wait3A_172] : memref<100016x16xf32, #tpu.memory_space<vmem_shared>> -> memref<100016x16xf32, #tpu.memory_space<vmem_shared>>
        tpu.wait_indirect_dma semaphore(%run_scoped3A : memref<!tpu.dma_semaphore, #tpu.memory_space<semaphore_mem>>) src(%arg8 : memref<128x16xf32, #tpu.memory_space<vmem>>) dst(%dma_wait3A_173 : memref<100016x16xf32, #tpu.memory_space<vmem_shared>>)
        tpu.yield
      }) : () -> ()
      %add3A_151 = arith.constant 2 : i32
      %add3A_152 = arith.addi %mul3A_123, %add3A_151 : i32
      %lt3A = arith.constant 782 : i32
      %lt3A_153 = arith.cmpi slt, %add3A_152, %lt3A : i32
      %convert_element_type3A = arith.extui %lt3A_153 : i1 to i32
      %cond3A = arith.constant 0 : i32
      %cond3A_154 = arith.cmpi ne, %convert_element_type3A, %cond3A : i32
      scf.if %cond3A_154 {
        %add3A_168 = arith.constant 2 : i32
        %add3A_169 = arith.addi %mul3A_123, %add3A_168 : i32
        %mul3A_170 = arith.constant 782 : i32
        %mul3A_171 = arith.muli %arg1, %mul3A_170 : i32
        %add3A_172 = arith.addi %mul3A_171, %add3A_169 : i32
        %dma_start3A_173 = arith.constant 0 : i32
        %dma_start3A_174 = tpu.memref_slice %arg2[%add3A_172, %dma_start3A_173] : memref<12512x128xi32, #tpu.memory_space<hbm>> -> memref<1x128xi32, #tpu.memory_space<hbm>>
        %dma_start3A_175 = tpu.memref_squeeze %dma_start3A_174 : memref<1x128xi32, #tpu.memory_space<hbm>> -> memref<128xi32, #tpu.memory_space<hbm>>
        %dma_start3A_176 = arith.constant 0 : i32
        %dma_start3A_177 = tpu.memref_slice %arg2[%add3A_172, %dma_start3A_176] : memref<12512x128xi32, #tpu.memory_space<hbm>> -> memref<1x128xi32, #tpu.memory_space<hbm>>
        %dma_start3A_178 = tpu.memref_squeeze %dma_start3A_177 : memref<1x128xi32, #tpu.memory_space<hbm>> -> memref<128xi32, #tpu.memory_space<hbm>>
        tpu.enqueue_dma source(%dma_start3A_178 : memref<128xi32, #tpu.memory_space<hbm>>) target(%arg6 : memref<128xi32, #tpu.memory_space<vmem>>) target_semaphore(%arg12 : memref<!tpu.dma_semaphore, #tpu.memory_space<semaphore_mem>>)
        %mul3A_179 = arith.constant 128 : i32
        %mul3A_180 = arith.muli %add3A_172, %mul3A_179 : i32
        %dma_start3A_181 = tpu.memref_slice %arg3[%mul3A_180, %mul3A_63] : memref<1601536x64xf32, #tpu.memory_space<hbm>> -> memref<128x16xf32, #tpu.memory_space<hbm>>
        %dma_start3A_182 = tpu.memref_slice %arg3[%mul3A_180, %mul3A_63] : memref<1601536x64xf32, #tpu.memory_space<hbm>> -> memref<128x16xf32, #tpu.memory_space<hbm>>
        tpu.enqueue_dma source(%dma_start3A_182 : memref<128x16xf32, #tpu.memory_space<hbm>>) target(%arg8 : memref<128x16xf32, #tpu.memory_space<vmem>>) target_semaphore(%arg14 : memref<!tpu.dma_semaphore, #tpu.memory_space<semaphore_mem>>)
      } else {
      }
      %dma_wait3A_155 = arith.constant 0 : i32
      %dma_wait3A_156 = arith.constant 0 : i32
      %dma_wait3A_157 = tpu.memref_slice %arg2[%dma_wait3A_155, %dma_wait3A_156] : memref<12512x128xi32, #tpu.memory_space<hbm>> -> memref<1x128xi32, #tpu.memory_space<hbm>>
      %dma_wait3A_158 = tpu.memref_squeeze %dma_wait3A_157 : memref<1x128xi32, #tpu.memory_space<hbm>> -> memref<128xi32, #tpu.memory_space<hbm>>
      %dma_wait3A_159 = arith.constant 0 : i32
      %dma_wait3A_160 = tpu.memref_slice %arg2[%dma_wait3A_155, %dma_wait3A_159] : memref<12512x128xi32, #tpu.memory_space<hbm>> -> memref<1x128xi32, #tpu.memory_space<hbm>>
      %dma_wait3A_161 = tpu.memref_squeeze %dma_wait3A_160 : memref<1x128xi32, #tpu.memory_space<hbm>> -> memref<128xi32, #tpu.memory_space<hbm>>
      tpu.wait_dma2 semaphore(%arg13 : memref<!tpu.dma_semaphore, #tpu.memory_space<semaphore_mem>>) src(%dma_wait3A_161 : memref<128xi32, #tpu.memory_space<hbm>>) dst(%arg7 : memref<128xi32, #tpu.memory_space<vmem>>)
      %dma_wait3A_162 = arith.constant 0 : i32
      %dma_wait3A_163 = arith.constant 0 : i32
      %dma_wait3A_164 = tpu.memref_slice %arg3[%dma_wait3A_162, %dma_wait3A_163] : memref<1601536x64xf32, #tpu.memory_space<hbm>> -> memref<128x16xf32, #tpu.memory_space<hbm>>
      %dma_wait3A_165 = arith.constant 0 : i32
      %dma_wait3A_166 = arith.constant 0 : i32
      %dma_wait3A_167 = tpu.memref_slice %arg3[%dma_wait3A_165, %dma_wait3A_166] : memref<1601536x64xf32, #tpu.memory_space<hbm>> -> memref<128x16xf32, #tpu.memory_space<hbm>>
      tpu.wait_dma2 semaphore(%arg15 : memref<!tpu.dma_semaphore, #tpu.memory_space<semaphore_mem>>) src(%dma_wait3A_167 : memref<128x16xf32, #tpu.memory_space<hbm>>) dst(%arg9 : memref<128x16xf32, #tpu.memory_space<vmem>>)
      "tpu.region"() ({
        %run_scoped3A = tpu.sem_alloc : memref<!tpu.dma_semaphore, #tpu.memory_space<semaphore_mem>>
        %dma_start3A_168 = arith.constant 0 : i32
        %dma_start3A_169 = arith.constant 0 : i32
        %dma_start3A_170 = tpu.memref_slice %arg11[%dma_start3A_168, %dma_start3A_169] : memref<100016x16xf32, #tpu.memory_space<vmem_shared>> -> memref<100016x16xf32, #tpu.memory_space<vmem_shared>>
        tpu.enqueue_indirect_dma source(%arg9 : memref<128x16xf32, #tpu.memory_space<vmem>>) target(%dma_start3A_170 : memref<100016x16xf32, #tpu.memory_space<vmem_shared>>) offsets(%arg7 : memref<128xi32, #tpu.memory_space<vmem>>) semaphore(%run_scoped3A : memref<!tpu.dma_semaphore, #tpu.memory_space<semaphore_mem>>) {add = true}
        %dma_wait3A_171 = arith.constant 0 : i32
        %dma_wait3A_172 = arith.constant 0 : i32
        %dma_wait3A_173 = tpu.memref_slice %arg11[%dma_wait3A_171, %dma_wait3A_172] : memref<100016x16xf32, #tpu.memory_space<vmem_shared>> -> memref<100016x16xf32, #tpu.memory_space<vmem_shared>>
        tpu.wait_indirect_dma semaphore(%run_scoped3A : memref<!tpu.dma_semaphore, #tpu.memory_space<semaphore_mem>>) src(%arg9 : memref<128x16xf32, #tpu.memory_space<vmem>>) dst(%dma_wait3A_173 : memref<100016x16xf32, #tpu.memory_space<vmem_shared>>)
        tpu.yield
      }) : () -> ()
    }
    %scan3A_114 = arith.constant 391 : i32
    %barrier3A_115 = arith.constant 0 : index
    tpu.barrier barrier_id(%barrier3A_115)
    %mul3A_116 = arith.constant 6250 : i32
    %mul3A_117 = arith.muli %arg1, %mul3A_116 : i32
    %mul3A_118 = arith.constant 6250 : i32
    %mul3A_119 = arith.muli %arg1, %mul3A_118 : i32
    "tpu.region"() ({
      %run_scoped3A = tpu.sem_alloc : memref<!tpu.dma_semaphore, #tpu.memory_space<semaphore_mem>>
      %dma_start3A_121 = tpu.memref_slice %arg5[%mul3A_119, %mul3A_63] : memref<100000x64xf32, #tpu.memory_space<hbm>> -> memref<6250x16xf32, #tpu.memory_space<hbm>>
      %dma_start3A_122 = arith.constant 0 : i32
      %dma_start3A_123 = tpu.memref_slice %arg11[%mul3A_117, %dma_start3A_122] : memref<100016x16xf32, #tpu.memory_space<vmem_shared>> -> memref<6250x16xf32, #tpu.memory_space<vmem_shared>>
      tpu.enqueue_dma source(%dma_start3A_123 : memref<6250x16xf32, #tpu.memory_space<vmem_shared>>) target(%dma_start3A_121 : memref<6250x16xf32, #tpu.memory_space<hbm>>) target_semaphore(%run_scoped3A : memref<!tpu.dma_semaphore, #tpu.memory_space<semaphore_mem>>)
      %dma_wait3A = tpu.memref_slice %arg5[%mul3A_119, %mul3A_63] : memref<100000x64xf32, #tpu.memory_space<hbm>> -> memref<6250x16xf32, #tpu.memory_space<hbm>>
      %dma_wait3A_124 = arith.constant 0 : i32
      %dma_wait3A_125 = tpu.memref_slice %arg11[%mul3A_117, %dma_wait3A_124] : memref<100016x16xf32, #tpu.memory_space<vmem_shared>> -> memref<6250x16xf32, #tpu.memory_space<vmem_shared>>
      tpu.wait_dma2 semaphore(%run_scoped3A : memref<!tpu.dma_semaphore, #tpu.memory_space<semaphore_mem>>) src(%dma_wait3A_125 : memref<6250x16xf32, #tpu.memory_space<vmem_shared>>) dst(%dma_wait3A : memref<6250x16xf32, #tpu.memory_space<hbm>>)
      tpu.yield
    }) : () -> ()
    %barrier3A_120 = arith.constant 0 : index
    tpu.barrier barrier_id(%barrier3A_120)
    return
  }
}

module attributes {stable_mosaic.version = 14 : i64} {
  func.func @_msg_body(%arg0: i32, %arg1: memref<4096x52xf32, #tpu.memory_space<vmem>>, %arg2: memref<4096x16xf32, #tpu.memory_space<vmem>>, %arg3: memref<52x128xf32, #tpu.memory_space<vmem>>, %arg4: memref<2x64xf32, #tpu.memory_space<vmem>>, %arg5: memref<4096x64xf32, #tpu.memory_space<vmem>>) attributes {dimension_semantics = [#tpu.dimension_semantics<arbitrary>], iteration_bounds = array<i64: 391>, scalar_prefetch = 0 : i64, scratch_operands = 0 : i64, tpu.core_type = #tpu.core_type<tc>, window_params = [{transform_indices = @transform_0, window_bounds = array<i64: 4096, 52>}, {transform_indices = @transform_1, window_bounds = array<i64: 4096, 16>}, {pipeline_mode = #tpu.pipeline_mode<synchronous>, transform_indices = @transform_2, window_bounds = array<i64: 52, 128>}, {pipeline_mode = #tpu.pipeline_mode<synchronous>, transform_indices = @transform_3, window_bounds = array<i64: 2, 64>}, {transform_indices = @transform_4, window_bounds = array<i64: 4096, 64>}]} {
    %get3A = arith.constant 0 : index
    %get3A_0 = arith.constant 0 : index
    %get3A_1 = vector.load %arg1[%get3A, %get3A_0] : memref<4096x52xf32, #tpu.memory_space<vmem>>, vector<4096x52xf32>
    %get3A_2 = arith.constant 0 : index
    %get3A_3 = arith.constant 0 : index
    %get3A_4 = vector.load %arg3[%get3A_2, %get3A_3] : memref<52x128xf32, #tpu.memory_space<vmem>>, vector<52x128xf32>
    %dot_general3A = arith.constant dense<0.000000e+00> : vector<4096x128xf32>
    %dot_general3A_5 = tpu.matmul %get3A_1, %get3A_4, %dot_general3A {dimension_numbers = #tpu.dot_dimension_numbers<[1], [0], [0], [1], [0, 0, 1, 1], [], []>, precision = #tpu.contract_precision<fp32>, transpose_lhs_hint = false} : vector<4096x52xf32>, vector<52x128xf32>, vector<4096x128xf32> -> vector<4096x128xf32>
    %get3A_6 = arith.constant 0 : index
    %get3A_7 = arith.constant 0 : index
    %get3A_8 = vector.load %arg2[%get3A_6, %get3A_7] : memref<4096x16xf32, #tpu.memory_space<vmem>>, vector<4096x16xf32>
    %slice3A = vector.extract_strided_slice %get3A_8 {offsets = [0, 0], sizes = [4096, 1], strides = [1, 1]} : vector<4096x16xf32> to vector<4096x1xf32>
    %slice3A_9 = vector.extract_strided_slice %get3A_8 {offsets = [0, 1], sizes = [4096, 1], strides = [1, 1]} : vector<4096x16xf32> to vector<4096x1xf32>
    %get3A_10 = arith.constant 0 : index
    %get3A_11 = arith.constant 0 : index
    %get3A_12 = vector.load %arg4[%get3A_10, %get3A_11] : memref<2x64xf32, #tpu.memory_space<vmem>>, vector<2x64xf32>
    %slice3A_13 = vector.extract_strided_slice %dot_general3A_5 {offsets = [0, 0], sizes = [4096, 64], strides = [1, 1]} : vector<4096x128xf32> to vector<4096x64xf32>
    %slice3A_14 = vector.extract_strided_slice %get3A_12 {offsets = [0, 0], sizes = [1, 64], strides = [1, 1]} : vector<2x64xf32> to vector<1x64xf32>
    %add3A = vector.broadcast %slice3A_14 : vector<1x64xf32> to vector<4096x64xf32>
    %add3A_15 = arith.addf %slice3A_13, %add3A : vector<4096x64xf32>
    %mul3A = vector.broadcast %slice3A : vector<4096x1xf32> to vector<4096x64xf32>
    %mul3A_16 = arith.mulf %mul3A, %add3A_15 : vector<4096x64xf32>
    %slice3A_17 = vector.extract_strided_slice %dot_general3A_5 {offsets = [0, 64], sizes = [4096, 64], strides = [1, 1]} : vector<4096x128xf32> to vector<4096x64xf32>
    %slice3A_18 = vector.extract_strided_slice %get3A_12 {offsets = [1, 0], sizes = [1, 64], strides = [1, 1]} : vector<2x64xf32> to vector<1x64xf32>
    %add3A_19 = vector.broadcast %slice3A_18 : vector<1x64xf32> to vector<4096x64xf32>
    %add3A_20 = arith.addf %slice3A_17, %add3A_19 : vector<4096x64xf32>
    %mul3A_21 = vector.broadcast %slice3A_9 : vector<4096x1xf32> to vector<4096x64xf32>
    %mul3A_22 = arith.mulf %mul3A_21, %add3A_20 : vector<4096x64xf32>
    %add3A_23 = arith.addf %mul3A_16, %mul3A_22 : vector<4096x64xf32>
    %swap3A = arith.constant 0 : index
    %swap3A_24 = arith.constant 0 : index
    %swap3A_25 = vector.load %arg5[%swap3A, %swap3A_24] : memref<4096x64xf32, #tpu.memory_space<vmem>>, vector<4096x64xf32>
    tpu.vector_store %arg5[%swap3A, %swap3A_24], %add3A_23 {strides = array<i32>} : memref<4096x64xf32, #tpu.memory_space<vmem>>, vector<4096x64xf32>,
    return
  }
  func.func @transform_0(%arg0: i32) -> (i32, i32) {
    %c0_i32 = arith.constant 0 : i32
    %c0_i32_0 = arith.constant 0 : i32
    return %arg0, %c0_i32 : i32, i32
  }
  func.func @transform_1(%arg0: i32) -> (i32, i32) {
    %c0_i32 = arith.constant 0 : i32
    %c0_i32_0 = arith.constant 0 : i32
    return %arg0, %c0_i32 : i32, i32
  }
  func.func @transform_2(%arg0: i32) -> (i32, i32) {
    %c0_i32 = arith.constant 0 : i32
    %c0_i32_0 = arith.constant 0 : i32
    %c0_i32_1 = arith.constant 0 : i32
    return %c0_i32, %c0_i32_0 : i32, i32
  }
  func.func @transform_3(%arg0: i32) -> (i32, i32) {
    %c0_i32 = arith.constant 0 : i32
    %c0_i32_0 = arith.constant 0 : i32
    %c0_i32_1 = arith.constant 0 : i32
    return %c0_i32, %c0_i32_0 : i32, i32
  }
  func.func @transform_4(%arg0: i32) -> (i32, i32) {
    %c0_i32 = arith.constant 0 : i32
    %c0_i32_0 = arith.constant 0 : i32
    return %arg0, %c0_i32 : i32, i32
  }
}

module attributes {stable_mosaic.version = 14 : i64} {
  func.func @_post_body(%arg0: i32, %arg1: memref<5000x64xf32, #tpu.memory_space<vmem>>, %arg2: memref<5000x2xf32, #tpu.memory_space<vmem>>, %arg3: memref<1x1x5000xi32, #tpu.memory_space<vmem>>, %arg4: memref<2x64xf32, #tpu.memory_space<vmem>>, %arg5: memref<1x64xf32, #tpu.memory_space<vmem>>, %arg6: memref<64x128xf32, #tpu.memory_space<vmem>>, %arg7: memref<1x128xf32, #tpu.memory_space<vmem>>, %arg8: memref<128x256xf32, #tpu.memory_space<vmem>>, %arg9: memref<1x256xf32, #tpu.memory_space<vmem>>, %arg10: memref<256x128xf32, #tpu.memory_space<vmem>>, %arg11: memref<1x128xf32, #tpu.memory_space<vmem>>, %arg12: memref<128x128xf32, #tpu.memory_space<vmem>>, %arg13: memref<1x128xf32, #tpu.memory_space<vmem>>, %arg14: memref<64x128xf32, #tpu.memory_space<vmem>>, %arg15: memref<64x64xf32, #tpu.memory_space<vmem>>, %arg16: memref<64x1xf32, #tpu.memory_space<vmem>>) attributes {dimension_semantics = [#tpu.dimension_semantics<arbitrary>], iteration_bounds = array<i64: 20>, scalar_prefetch = 0 : i64, scratch_operands = 2 : i64, tpu.core_type = #tpu.core_type<tc>, window_params = [{transform_indices = @transform_0, window_bounds = array<i64: 5000, 64>}, {transform_indices = @transform_1, window_bounds = array<i64: 5000, 2>}, {transform_indices = @transform_2, window_bounds = array<i64: 1, 1, 5000>}, {pipeline_mode = #tpu.pipeline_mode<synchronous>, transform_indices = @transform_3, window_bounds = array<i64: 2, 64>}, {pipeline_mode = #tpu.pipeline_mode<synchronous>, transform_indices = @transform_4, window_bounds = array<i64: 1, 64>}, {pipeline_mode = #tpu.pipeline_mode<synchronous>, transform_indices = @transform_5, window_bounds = array<i64: 64, 128>}, {pipeline_mode = #tpu.pipeline_mode<synchronous>, transform_indices = @transform_6, window_bounds = array<i64: 1, 128>}, {pipeline_mode = #tpu.pipeline_mode<synchronous>, transform_indices = @transform_7, window_bounds = array<i64: 128, 256>}, {pipeline_mode = #tpu.pipeline_mode<synchronous>, transform_indices = @transform_8, window_bounds = array<i64: 1, 256>}, {pipeline_mode = #tpu.pipeline_mode<synchronous>, transform_indices = @transform_9, window_bounds = array<i64: 256, 128>}, {pipeline_mode = #tpu.pipeline_mode<synchronous>, transform_indices = @transform_10, window_bounds = array<i64: 1, 128>}, {pipeline_mode = #tpu.pipeline_mode<synchronous>, transform_indices = @transform_11, window_bounds = array<i64: 128, 128>}, {pipeline_mode = #tpu.pipeline_mode<synchronous>, transform_indices = @transform_12, window_bounds = array<i64: 1, 128>}, {pipeline_mode = #tpu.pipeline_mode<synchronous>, transform_indices = @transform_13, window_bounds = array<i64: 64, 128>}]} {
    %eq3A = arith.constant 0 : i32
    %eq3A_0 = arith.cmpi eq, %arg0, %eq3A : i32
    %convert_element_type3A = arith.extui %eq3A_0 : i1 to i32
    %cond3A = arith.constant 0 : i32
    %cond3A_1 = arith.cmpi ne, %convert_element_type3A, %cond3A : i32
    scf.if %cond3A_1 {
      %broadcast_in_dim3A_49 = arith.constant 0.000000e+00 : f32
      %broadcast_in_dim3A_50 = vector.broadcast %broadcast_in_dim3A_49 : f32 to vector<64x64xf32>
      %swap3A_51 = arith.constant 0 : index
      %swap3A_52 = arith.constant 0 : index
      %swap3A_53 = vector.load %arg15[%swap3A_51, %swap3A_52] : memref<64x64xf32, #tpu.memory_space<vmem>>, vector<64x64xf32>
      tpu.vector_store %arg15[%swap3A_51, %swap3A_52], %broadcast_in_dim3A_50 {strides = array<i32>} : memref<64x64xf32, #tpu.memory_space<vmem>>, vector<64x64xf32>,
      %broadcast_in_dim3A_54 = arith.constant 0.000000e+00 : f32
      %broadcast_in_dim3A_55 = vector.broadcast %broadcast_in_dim3A_54 : f32 to vector<64x1xf32>
      %swap3A_56 = arith.constant 0 : index
      %swap3A_57 = arith.constant 0 : index
      %swap3A_58 = vector.load %arg16[%swap3A_56, %swap3A_57] : memref<64x1xf32, #tpu.memory_space<vmem>>, vector<64x1xf32>
      tpu.vector_store %arg16[%swap3A_56, %swap3A_57], %broadcast_in_dim3A_55 {strides = array<i32>} : memref<64x1xf32, #tpu.memory_space<vmem>>, vector<64x1xf32>,
    } else {
    }
    %get3A = arith.constant 0 : index
    %get3A_2 = arith.constant 0 : index
    %get3A_3 = vector.load %arg2[%get3A, %get3A_2] : memref<5000x2xf32, #tpu.memory_space<vmem>>, vector<5000x2xf32>
    %get3A_4 = arith.constant 0 : index
    %get3A_5 = arith.constant 0 : index
    %get3A_6 = vector.load %arg4[%get3A_4, %get3A_5] : memref<2x64xf32, #tpu.memory_space<vmem>>, vector<2x64xf32>
    %dot_general3A = arith.constant dense<0.000000e+00> : vector<5000x64xf32>
    %dot_general3A_7 = tpu.matmul %get3A_3, %get3A_6, %dot_general3A {dimension_numbers = #tpu.dot_dimension_numbers<[1], [0], [0], [1], [0, 0, 1, 1], [], []>, precision = #tpu.contract_precision<fp32>, transpose_lhs_hint = false} : vector<5000x2xf32>, vector<2x64xf32>, vector<5000x64xf32> -> vector<5000x64xf32>
    %get3A_8 = arith.constant 0 : index
    %get3A_9 = arith.constant 0 : index
    %get3A_10 = vector.load %arg1[%get3A_8, %get3A_9] : memref<5000x64xf32, #tpu.memory_space<vmem>>, vector<5000x64xf32>
    %add3A = arith.addf %get3A_10, %dot_general3A_7 : vector<5000x64xf32>
    %get3A_11 = arith.constant 0 : index
    %get3A_12 = arith.constant 0 : index
    %get3A_13 = vector.load %arg5[%get3A_11, %get3A_12] : memref<1x64xf32, #tpu.memory_space<vmem>>, vector<1x64xf32>
    %add3A_14 = vector.broadcast %get3A_13 : vector<1x64xf32> to vector<5000x64xf32>
    %add3A_15 = arith.addf %add3A, %add3A_14 : vector<5000x64xf32>
    %max3A = arith.constant 0.000000e+00 : f32
    %max3A_16 = vector.broadcast %max3A : f32 to vector<5000x64xf32>
    %max3A_17 = arith.maximumf %add3A_15, %max3A_16 : vector<5000x64xf32>
    %get3A_18 = arith.constant 0 : index
    %get3A_19 = arith.constant 0 : index
    %get3A_20 = arith.constant 0 : index
    %get3A_21 = vector.load %arg3[%get3A_18, %get3A_19, %get3A_20] : memref<1x1x5000xi32, #tpu.memory_space<vmem>>, vector<1x1x5000xi32>
    %get3A_22 = vector.shape_cast %get3A_21 : vector<1x1x5000xi32> to vector<5000xi32>
    %iota3A = tpu.iota {dimensions = array<i32: 0>} : vector<64x5000xi32>
    %broadcast_in_dim3A = vector.shape_cast %get3A_22 : vector<5000xi32> to vector<1x5000xi32>
    %eq3A_23 = vector.broadcast %broadcast_in_dim3A : vector<1x5000xi32> to vector<64x5000xi32>
    %eq3A_24 = arith.cmpi eq, %eq3A_23, %iota3A : vector<64x5000xi32>
    %convert_element_type3A_25 = arith.extui %eq3A_24 : vector<64x5000xi1> to vector<64x5000xi32>
    %convert_element_type3A_26 = arith.sitofp %convert_element_type3A_25 : vector<64x5000xi32> to vector<64x5000xf32>
    %get3A_27 = arith.constant 0 : index
    %get3A_28 = arith.constant 0 : index
    %get3A_29 = vector.load %arg15[%get3A_27, %get3A_28] : memref<64x64xf32, #tpu.memory_space<vmem>>, vector<64x64xf32>
    %dot_general3A_30 = arith.constant dense<0.000000e+00> : vector<64x64xf32>
    %dot_general3A_31 = tpu.matmul %convert_element_type3A_26, %max3A_17, %dot_general3A_30 {dimension_numbers = #tpu.dot_dimension_numbers<[1], [0], [0], [1], [0, 0, 1, 1], [], []>, precision = #tpu.contract_precision<fp32>, transpose_lhs_hint = false} : vector<64x5000xf32>, vector<5000x64xf32>, vector<64x64xf32> -> vector<64x64xf32>
    %add3A_32 = arith.addf %get3A_29, %dot_general3A_31 : vector<64x64xf32>
    %swap3A = arith.constant 0 : index
    %swap3A_33 = arith.constant 0 : index
    %swap3A_34 = vector.load %arg15[%swap3A, %swap3A_33] : memref<64x64xf32, #tpu.memory_space<vmem>>, vector<64x64xf32>
    tpu.vector_store %arg15[%swap3A, %swap3A_33], %add3A_32 {strides = array<i32>} : memref<64x64xf32, #tpu.memory_space<vmem>>, vector<64x64xf32>,
    %get3A_35 = arith.constant 0 : index
    %get3A_36 = arith.constant 0 : index
    %get3A_37 = vector.load %arg16[%get3A_35, %get3A_36] : memref<64x1xf32, #tpu.memory_space<vmem>>, vector<64x1xf32>
    %reduce_sum3A = arith.constant dense<0.000000e+00> : vector<64xf32>
    %reduce_sum3A_38 = vector.multi_reduction <add>, %convert_element_type3A_26, %reduce_sum3A [1] : vector<64x5000xf32> to vector<64xf32>
    %broadcast_in_dim3A_39 = vector.shape_cast %reduce_sum3A_38 : vector<64xf32> to vector<64x1xf32>
    %add3A_40 = arith.addf %get3A_37, %broadcast_in_dim3A_39 : vector<64x1xf32>
    %swap3A_41 = arith.constant 0 : index
    %swap3A_42 = arith.constant 0 : index
    %swap3A_43 = vector.load %arg16[%swap3A_41, %swap3A_42] : memref<64x1xf32, #tpu.memory_space<vmem>>, vector<64x1xf32>
    tpu.vector_store %arg16[%swap3A_41, %swap3A_42], %add3A_40 {strides = array<i32>} : memref<64x1xf32, #tpu.memory_space<vmem>>, vector<64x1xf32>,
    %eq3A_44 = arith.constant 19 : i32
    %eq3A_45 = arith.cmpi eq, %arg0, %eq3A_44 : i32
    %convert_element_type3A_46 = arith.extui %eq3A_45 : i1 to i32
    %cond3A_47 = arith.constant 0 : i32
    %cond3A_48 = arith.cmpi ne, %convert_element_type3A_46, %cond3A_47 : i32
    scf.if %cond3A_48 {
      %get3A_49 = arith.constant 0 : index
      %get3A_50 = arith.constant 0 : index
      %get3A_51 = vector.load %arg15[%get3A_49, %get3A_50] : memref<64x64xf32, #tpu.memory_space<vmem>>, vector<64x64xf32>
      %get3A_52 = arith.constant 0 : index
      %get3A_53 = arith.constant 0 : index
      %get3A_54 = vector.load %arg16[%get3A_52, %get3A_53] : memref<64x1xf32, #tpu.memory_space<vmem>>, vector<64x1xf32>
      %max3A_55 = arith.constant 1.000000e+00 : f32
      %max3A_56 = vector.broadcast %max3A_55 : f32 to vector<64x1xf32>
      %max3A_57 = arith.maximumf %get3A_54, %max3A_56 : vector<64x1xf32>
      %div3A = vector.broadcast %max3A_57 : vector<64x1xf32> to vector<64x64xf32>
      %div3A_58 = arith.divf %get3A_51, %div3A : vector<64x64xf32>
      %get3A_59 = arith.constant 0 : index
      %get3A_60 = arith.constant 0 : index
      %get3A_61 = vector.load %arg6[%get3A_59, %get3A_60] : memref<64x128xf32, #tpu.memory_space<vmem>>, vector<64x128xf32>
      %dot_general3A_62 = arith.constant dense<0.000000e+00> : vector<64x128xf32>
      %dot_general3A_63 = tpu.matmul %div3A_58, %get3A_61, %dot_general3A_62 {dimension_numbers = #tpu.dot_dimension_numbers<[1], [0], [0], [1], [0, 0, 1, 1], [], []>, precision = #tpu.contract_precision<fp32>, transpose_lhs_hint = false} : vector<64x64xf32>, vector<64x128xf32>, vector<64x128xf32> -> vector<64x128xf32>
      %get3A_64 = arith.constant 0 : index
      %get3A_65 = arith.constant 0 : index
      %get3A_66 = vector.load %arg7[%get3A_64, %get3A_65] : memref<1x128xf32, #tpu.memory_space<vmem>>, vector<1x128xf32>
      %add3A_67 = vector.broadcast %get3A_66 : vector<1x128xf32> to vector<64x128xf32>
      %add3A_68 = arith.addf %dot_general3A_63, %add3A_67 : vector<64x128xf32>
      %max3A_69 = arith.constant 0.000000e+00 : f32
      %max3A_70 = vector.broadcast %max3A_69 : f32 to vector<64x128xf32>
      %max3A_71 = arith.maximumf %add3A_68, %max3A_70 : vector<64x128xf32>
      %get3A_72 = arith.constant 0 : index
      %get3A_73 = arith.constant 0 : index
      %get3A_74 = vector.load %arg8[%get3A_72, %get3A_73] : memref<128x256xf32, #tpu.memory_space<vmem>>, vector<128x256xf32>
      %dot_general3A_75 = arith.constant dense<0.000000e+00> : vector<64x256xf32>
      %dot_general3A_76 = tpu.matmul %max3A_71, %get3A_74, %dot_general3A_75 {dimension_numbers = #tpu.dot_dimension_numbers<[1], [0], [0], [1], [0, 0, 1, 1], [], []>, precision = #tpu.contract_precision<fp32>, transpose_lhs_hint = false} : vector<64x128xf32>, vector<128x256xf32>, vector<64x256xf32> -> vector<64x256xf32>
      %get3A_77 = arith.constant 0 : index
      %get3A_78 = arith.constant 0 : index
      %get3A_79 = vector.load %arg9[%get3A_77, %get3A_78] : memref<1x256xf32, #tpu.memory_space<vmem>>, vector<1x256xf32>
      %add3A_80 = vector.broadcast %get3A_79 : vector<1x256xf32> to vector<64x256xf32>
      %add3A_81 = arith.addf %dot_general3A_76, %add3A_80 : vector<64x256xf32>
      %max3A_82 = arith.constant 0.000000e+00 : f32
      %max3A_83 = vector.broadcast %max3A_82 : f32 to vector<64x256xf32>
      %max3A_84 = arith.maximumf %add3A_81, %max3A_83 : vector<64x256xf32>
      %get3A_85 = arith.constant 0 : index
      %get3A_86 = arith.constant 0 : index
      %get3A_87 = vector.load %arg10[%get3A_85, %get3A_86] : memref<256x128xf32, #tpu.memory_space<vmem>>, vector<256x128xf32>
      %dot_general3A_88 = arith.constant dense<0.000000e+00> : vector<64x128xf32>
      %dot_general3A_89 = tpu.matmul %max3A_84, %get3A_87, %dot_general3A_88 {dimension_numbers = #tpu.dot_dimension_numbers<[1], [0], [0], [1], [0, 0, 1, 1], [], []>, precision = #tpu.contract_precision<fp32>, transpose_lhs_hint = false} : vector<64x256xf32>, vector<256x128xf32>, vector<64x128xf32> -> vector<64x128xf32>
      %get3A_90 = arith.constant 0 : index
      %get3A_91 = arith.constant 0 : index
      %get3A_92 = vector.load %arg11[%get3A_90, %get3A_91] : memref<1x128xf32, #tpu.memory_space<vmem>>, vector<1x128xf32>
      %add3A_93 = vector.broadcast %get3A_92 : vector<1x128xf32> to vector<64x128xf32>
      %add3A_94 = arith.addf %dot_general3A_89, %add3A_93 : vector<64x128xf32>
      %max3A_95 = arith.constant 0.000000e+00 : f32
      %max3A_96 = vector.broadcast %max3A_95 : f32 to vector<64x128xf32>
      %max3A_97 = arith.maximumf %add3A_94, %max3A_96 : vector<64x128xf32>
      %get3A_98 = arith.constant 0 : index
      %get3A_99 = arith.constant 0 : index
      %get3A_100 = vector.load %arg12[%get3A_98, %get3A_99] : memref<128x128xf32, #tpu.memory_space<vmem>>, vector<128x128xf32>
      %dot_general3A_101 = arith.constant dense<0.000000e+00> : vector<64x128xf32>
      %dot_general3A_102 = tpu.matmul %max3A_97, %get3A_100, %dot_general3A_101 {dimension_numbers = #tpu.dot_dimension_numbers<[1], [0], [0], [1], [0, 0, 1, 1], [], []>, precision = #tpu.contract_precision<fp32>, transpose_lhs_hint = false} : vector<64x128xf32>, vector<128x128xf32>, vector<64x128xf32> -> vector<64x128xf32>
      %get3A_103 = arith.constant 0 : index
      %get3A_104 = arith.constant 0 : index
      %get3A_105 = vector.load %arg13[%get3A_103, %get3A_104] : memref<1x128xf32, #tpu.memory_space<vmem>>, vector<1x128xf32>
      %add3A_106 = vector.broadcast %get3A_105 : vector<1x128xf32> to vector<64x128xf32>
      %add3A_107 = arith.addf %dot_general3A_102, %add3A_106 : vector<64x128xf32>
      %swap3A_108 = arith.constant 0 : index
      %swap3A_109 = arith.constant 0 : index
      %swap3A_110 = vector.load %arg14[%swap3A_108, %swap3A_109] : memref<64x128xf32, #tpu.memory_space<vmem>>, vector<64x128xf32>
      tpu.vector_store %arg14[%swap3A_108, %swap3A_109], %add3A_107 {strides = array<i32>} : memref<64x128xf32, #tpu.memory_space<vmem>>, vector<64x128xf32>,
    } else {
    }
    return
  }
  func.func @transform_0(%arg0: i32) -> (i32, i32) {
    %c0_i32 = arith.constant 0 : i32
    %c0_i32_0 = arith.constant 0 : i32
    return %arg0, %c0_i32 : i32, i32
  }
  func.func @transform_1(%arg0: i32) -> (i32, i32) {
    %c0_i32 = arith.constant 0 : i32
    %c0_i32_0 = arith.constant 0 : i32
    return %arg0, %c0_i32 : i32, i32
  }
  func.func @transform_2(%arg0: i32) -> (i32, i32, i32) {
    %c0_i32 = arith.constant 0 : i32
    %c0_i32_0 = arith.constant 0 : i32
    %c0_i32_1 = arith.constant 0 : i32
    return %arg0, %c0_i32, %c0_i32_0 : i32, i32, i32
  }
  func.func @transform_3(%arg0: i32) -> (i32, i32) {
    %c0_i32 = arith.constant 0 : i32
    %c0_i32_0 = arith.constant 0 : i32
    %c0_i32_1 = arith.constant 0 : i32
    return %c0_i32, %c0_i32_0 : i32, i32
  }
  func.func @transform_4(%arg0: i32) -> (i32, i32) {
    %c0_i32 = arith.constant 0 : i32
    %c0_i32_0 = arith.constant 0 : i32
    %c0_i32_1 = arith.constant 0 : i32
    return %c0_i32, %c0_i32_0 : i32, i32
  }
  func.func @transform_5(%arg0: i32) -> (i32, i32) {
    %c0_i32 = arith.constant 0 : i32
    %c0_i32_0 = arith.constant 0 : i32
    %c0_i32_1 = arith.constant 0 : i32
    return %c0_i32, %c0_i32_0 : i32, i32
  }
  func.func @transform_6(%arg0: i32) -> (i32, i32) {
    %c0_i32 = arith.constant 0 : i32
    %c0_i32_0 = arith.constant 0 : i32
    %c0_i32_1 = arith.constant 0 : i32
    return %c0_i32, %c0_i32_0 : i32, i32
  }
  func.func @transform_7(%arg0: i32) -> (i32, i32) {
    %c0_i32 = arith.constant 0 : i32
    %c0_i32_0 = arith.constant 0 : i32
    %c0_i32_1 = arith.constant 0 : i32
    return %c0_i32, %c0_i32_0 : i32, i32
  }
  func.func @transform_8(%arg0: i32) -> (i32, i32) {
    %c0_i32 = arith.constant 0 : i32
    %c0_i32_0 = arith.constant 0 : i32
    %c0_i32_1 = arith.constant 0 : i32
    return %c0_i32, %c0_i32_0 : i32, i32
  }
  func.func @transform_9(%arg0: i32) -> (i32, i32) {
    %c0_i32 = arith.constant 0 : i32
    %c0_i32_0 = arith.constant 0 : i32
    %c0_i32_1 = arith.constant 0 : i32
    return %c0_i32, %c0_i32_0 : i32, i32
  }
  func.func @transform_10(%arg0: i32) -> (i32, i32) {
    %c0_i32 = arith.constant 0 : i32
    %c0_i32_0 = arith.constant 0 : i32
    %c0_i32_1 = arith.constant 0 : i32
    return %c0_i32, %c0_i32_0 : i32, i32
  }
  func.func @transform_11(%arg0: i32) -> (i32, i32) {
    %c0_i32 = arith.constant 0 : i32
    %c0_i32_0 = arith.constant 0 : i32
    %c0_i32_1 = arith.constant 0 : i32
    return %c0_i32, %c0_i32_0 : i32, i32
  }
  func.func @transform_12(%arg0: i32) -> (i32, i32) {
    %c0_i32 = arith.constant 0 : i32
    %c0_i32_0 = arith.constant 0 : i32
    %c0_i32_1 = arith.constant 0 : i32
    return %c0_i32, %c0_i32_0 : i32, i32
  }
  func.func @transform_13(%arg0: i32) -> (i32, i32) {
    %c0_i32 = arith.constant 0 : i32
    %c0_i32_0 = arith.constant 0 : i32
    %c0_i32_1 = arith.constant 0 : i32
    return %c0_i32, %c0_i32_0 : i32, i32
  }
}

</mosaic_0001>

<sc_bundles>
// kernel: kernel.6.cloned.1.call-start
scs
__scs_entry_jumppad:
0x0: {  	(pc) =	sbr.rel $0x88, $3  }
0x1: {  	(tag) =	ssettag $0x0;
	lr =	simm.s32 $0x1  }
0x2: {  	[smem:$0x3F91] =	sst lr;
	_ =	strace $0xD0000000  }
0x3: {  	_ = 	snop  }
0x4: {  	_ = 	snop  }
0x5: {  	_ = 	snop  }
0x6: {  	_ = 	snop  }
0x7: {  	_ = 	snop  }
__scs_overlays_trampoline_lowered:
0x8: {  	[smem:$0x3FA0] =	sst s0  }
0x9: {  	[smem:$0x3FA1] =	sst s1  }
0xa: {  	[smem:$0x3FA2] =	sst s2  }
0xb: {  	[smem:$0x3FA3] =	sst s3  }
0xc: {  	[smem:$0x3FA4] =	sst s4  }
0xd: {  	[smem:$0x3FA5] =	sst s5  }
0xe: {  	[smem:$0x3FA6] =	sst s6  }
0xf: {  	[smem:$0x3FA7] =	sst s7  }
0x10: {  	[smem:$0x3FA8] =	sst s8  }
0x11: {  	[smem:$0x3FA9] =	sst s9;
	s0 =	simm.s32 @!p0 $0x0  }
0x12: {  	s1 =	sld [smem:$0x3F8F];
	s0 =	simm.s32 @p0 $0x1  }
0x13: {  	[smem:$0x3FAA] =	sst s0;
	s0 =	simm.s32 @!p1 $0x0  }
0x14: {  	s2 =	sld [smem:$0x3F8E];
	s0 =	simm.s32 @p1 $0x1  }
0x15: {  	[smem:$0x3FAB] =	sst s0;
	s0 =	simm.s32 @!p2 $0x0  }
0x16: {  	s3 =	sld [smem:$0x3FDB];
	s0 =	simm.s32 @p2 $0x1  }
0x17: {  	s4 =	simm.s32 $0x1BF5;
	[smem:$0x3FAD] =	sst s0  }
0x18: {  	s0 =	sld [smem:$0x3F90];
	_ =	swait.ge [sflag:s4], $0x0  }
0x19: {  	s7 =	sld [smem:$0x3F91]  }
0x1a: {  	s8 =	sadd.s32 $0xFFFFE003, lr  }
0x1b: {  	s9 =	sadd.s32 $0xFFFFFEF7, lr;
	s5 =	simm.s32 $0xFFFFFFFF;
	p2 =	slt.u32 s8, $0xFFFFF086  }
0x1c: {  	p1 =	slt.u32 s9, $0xF7A;
	s5 =	simm.s32 @!p2 $0x0  }
0x1d: {  	s5 =	simm.s32 @p1 $0x1;
	p0 =	seq.s32 s7, s2  }
0x1e: {  	s7 =	smul.u32 @!p0 $0xF7A, s2;
	p2 =	seq.s32 @!p0 s5, $0x0  }
0x1f: {  	s9 =	smul.u32 $0xF7A, s1;
	s8 =	simm.s32 @!p0 $0x1BF5;
	p2 =	por !p2, p0  }
0x20: {  	[sflag:s8] =	ssyncset.s32 @!p0 $0xFFFFF086;
	s6 =	sadd.s32 @!p0 s3, s7;
	s7 =	simm.s32 @!p0 $0x108  }
0x21: {  	s3 =	sadd.s32 s3, s9;
	s6 =	sadd.s32 @!p0 $0x88, s6;
	s7 =	simm.s32 @p2 $0x1082  }
0x22: {  	[simem:s7], [sflag:s8] =	dma.local @!p0 [hbm:s6], $0xF7A  }
0x23: {  	s9 =	sor.u32 $0xD0000000, s2;
	s6 =	simm.s32 $0x108;
	_ =	swait.ge @!p0 [sflag:s8], $0x0  }
0x24: {  	s3 =	sadd.s32 $0x88, s3;
	s6 =	simm.s32 @!p1 $0x1082;
	[sflag:s4] =	ssyncset.s32 $0xFFFFF086  }
0x25: {  	[simem:s6], [sflag:s4] =	dma.local [hbm:s3], $0xF7A  }
0x26: {  	[smem:$0x3F91] =	sst s1;
	(tag) =	ssettag s2;
	_ =	strace s9  }
0x27: {  	s1 =	sld [smem:$0x3FA1]  }
0x28: {  	s2 =	sld [smem:$0x3FA2]  }
0x29: {  	s4 =	sld [smem:$0x3FA4]  }
0x2a: {  	p0 =	seq.s32 s5, $0x0;
	s5 =	sld [smem:$0x3FA5]  }
0x2b: {  	s6 =	sld [smem:$0x3FA6]  }
0x2c: {  	s7 =	sld [smem:$0x3FA7]  }
0x2d: {  	s3 =	simm.s32 $0x108;
	s8 =	sld [smem:$0x3FA8]  }
0x2e: {  	s3 =	simm.s32 @!p0 $0x1082;
	s9 =	sld [smem:$0x3FA9]  }
0x2f: {  	lr =	sadd.s32 s0, s3;
	s0 =	sld [smem:$0x3FA0]  }
0x30: {  	s3 =	sld [smem:$0x3FA3]  }
0x31: {  	[smem:$0x3FAC] =	sst s10  }
0x32: {  	s10 =	sld [smem:$0x3FAA];
	_ =	sdelay $0x3  }
0x33: {  	p0 =	seq.s32 s10, $0x1;
	s10 =	sld [smem:$0x3FAC];
	_ =	sdelay $0x3  }
0x34: {  	[smem:$0x3FAC] =	sst s10  }
0x35: {  	s10 =	sld [smem:$0x3FAB];
	_ =	sdelay $0x3  }
0x36: {  	p1 =	seq.s32 s10, $0x1;
	s10 =	sld [smem:$0x3FAC];
	_ =	sdelay $0x3  }
0x37: {  	[smem:$0x3FAC] =	sst s10  }
0x38: {  	s10 =	sld [smem:$0x3FAD]  }
0x39: {  	_ = 	snop;
	(pc) =	sbr.ind lr, $3  }
0x3a: {  	_ = 	snop  }
0x3b: {  	_ = 	snop  }
0x3c: {  	p2 =	seq.s32 s10, $0x1;
	s10 =	sld [smem:$0x3FAC]  }
0x3d: {  	_ =	shalt  }
0x3e: {  	_ =	shalt  }
0x3f: {  	_ =	shalt  }
0x40: {  	_ =	shalt  }
0x41: {  	_ =	shalt  }
0x42: {  	_ =	shalt  }
0x43: {  	_ =	shalt  }
0x44: {  	_ =	shalt  }
0x45: {  	_ =	shalt  }
0x46: {  	_ =	shalt  }
0x47: {  	_ =	shalt  }
0x48: {  	_ =	shalt  }
0x49: {  	_ =	shalt  }
0x4a: {  	_ =	shalt  }
0x4b: {  	_ =	shalt  }
0x4c: {  	_ =	shalt  }
0x4d: {  	_ =	shalt  }
0x4e: {  	_ =	shalt  }
0x4f: {  	_ =	shalt  }
0x50: {  	_ =	shalt  }
0x51: {  	_ =	shalt  }
0x52: {  	_ =	shalt  }
0x53: {  	_ =	shalt  }
0x54: {  	_ =	shalt  }
0x55: {  	_ =	shalt  }
0x56: {  	_ =	shalt  }
0x57: {  	_ =	shalt  }
0x58: {  	_ =	shalt  }
0x59: {  	_ =	shalt  }
0x5a: {  	_ =	shalt  }
0x5b: {  	_ =	shalt  }
0x5c: {  	_ =	shalt  }
0x5d: {  	_ =	shalt  }
0x5e: {  	_ =	shalt  }
0x5f: {  	_ =	shalt  }
0x60: {  	_ =	shalt  }
0x61: {  	_ =	shalt  }
0x62: {  	_ =	shalt  }
0x63: {  	_ =	shalt  }
0x64: {  	_ =	shalt  }
0x65: {  	_ =	shalt  }
0x66: {  	_ =	shalt  }
0x67: {  	_ =	shalt  }
0x68: {  	_ =	shalt  }
0x69: {  	_ =	shalt  }
0x6a: {  	_ =	shalt  }
0x6b: {  	_ =	shalt  }
0x6c: {  	_ =	shalt  }
0x6d: {  	_ =	shalt  }
0x6e: {  	_ =	shalt  }
0x6f: {  	_ =	shalt  }
0x70: {  	_ =	shalt  }
0x71: {  	_ =	shalt  }
0x72: {  	_ =	shalt  }
0x73: {  	_ =	shalt  }
0x74: {  	_ =	shalt  }
0x75: {  	_ =	shalt  }
0x76: {  	_ =	shalt  }
0x77: {  	_ =	shalt  }
0x78: {  	_ =	shalt  }
0x79: {  	_ =	shalt  }
0x7a: {  	_ =	shalt  }
0x7b: {  	_ =	shalt  }
0x7c: {  	_ =	shalt  }
0x7d: {  	_ =	shalt  }
0x7e: {  	_ =	shalt  }
0x7f: {  	_ =	shalt  }
0x80: {  	_ =	shalt  }
0x81: {  	_ =	shalt  }
0x82: {  	_ =	shalt  }
0x83: {  	_ =	shalt  }
0x84: {  	_ =	shalt  }
0x85: {  	_ =	shalt  }
0x86: {  	_ =	shalt  }
0x87: {  	_ =	shalt  }
.Lfunc_end0:
.L_simem_size_0:
called_computation_lowered:
.L_overlay_start_0:
0x88: {  	s2 =	sld [smem:$0x3FD9]  }
0x89: {  	s3 =	sld [smem:$0x3FFE];
	_ =	sdelay $0x1  }
0x8a: {  	s1 =	srdreg.scid  }
0x8b: {  	s0 =	sand.u32 $0x1, s1  }
0x8c: {  	s16 =	sshll.u32 s0, $0xA;
	s2 =	sadd.s32 s3, s2  }
0x8d: {  	s2 =	sadd.s32 s2, s16  }
0x8e: {  	[smem:$0x3FB8] =	sst s2  }
0x8f: {  	_ = 	snop  }
0x90: {  	(tm) =	ssettm $0x1  }
0x91: {  	s17 =	sld [smem:$0x3FFB];
	_ =	sdelay $0x3  }
0x92: {  	_ =	strace s17  }
0x93: {  	s2 =	sld [smem:$0x3FFC];
	_ =	sdelay $0x3  }
0x94: {  	_ =	strace s2  }
0x95: {  	s2 =	sld [smem:$0x3FFD];
	_ =	sdelay $0x3  }
0x96: {  	_ =	strace s2  }
0x97: {  	_ =	strace $0x8FFFFFFF  }
0x98: {  	s18 =	sld [smem:$0x3FDB];
	_ =	sdelay $0x1  }
0x99: {  	s19 =	simm.s32 $_scs_section_size  }
0x9a: {  	s4 =	simm.s32 $_size__tile_overlayer_lowered;
	s5 =	simm.s32 $_tile_overlayer_lowered  }
0x9b: {  	s22 =	simm.s32 $0x1BFF;
	s21 =	sshll.u32 s5, $0x1;
	s2 =	sadd.s32 s19, s18  }
0x9c: {  	s6 =	simm.s32 $0x0;
	s20 =	sshll.u32 s4, $0x1;
	s4 =	sadd.s32 s21, s2  }
0x9d: {  	[timem:s6], [sflag:s22] =	dma.local [hbm:s4], s20  }
0x9e: {  	_ =	swait.ge [sflag:s22], s20  }
0x9f: {  	s3 =	ssub.s32 $0x0, s20;
	[sflag:s22] =	ssyncset.done $0x0  }
0xa0: {  	[sflag:s22] =	ssyncadd.s32 s3;
	_ =	sdelay $0x1  }
0xa1: {  	s23 =	simm.s32 $0x1B8B  }
0xa2: {  	_ =	swait.ge [sflag:s23], $0x1  }
0xa3: {  	[sflag:s23] =	ssyncset.done $0x0  }
0xa4: {  	s25 =	simm.s32 $0x1B8E;
	s24 =	sld [smem:$0x3FFE];
	[sflag:s23] =	ssyncadd.s32 $0xFFFFFFFF  }
0xa5: {  	s26 =	simm.s32 $execute0_lowered;
	[smem:$0x3FD2] =	sst s25  }
0xa6: {  	s4 =	sshll.u32 s26, $0x1;
	_ =	strace $0x80000046;
	[dreg:$0x1] =	wrdreg $0xFFFFFFFF  }
0xa7: {  	s28 =	simm.s32 $_size_execute0_lowered;
	s2 =	sadd.s32 s2, s4;
	[dreg:$0x0] =	wrdreg $0x0  }
0xa8: {  	s4 =	sshll.u32 s28, $0x1;
	[dreg:$0x2] =	wrdreg s2  }
0xa9: {  	[dreg:$0x3] =	wrdreg s4  }
0xaa: {  	[dreg:$0x4] =	wrdreg $0xC0  }
0xab: {  	_ =	task [dreg:s6], $0x5FFFF  }
0xac: {  	[dreg:$0x1] =	wrdreg $0xFFFFFFFF  }
0xad: {  	[dreg:$0x0] =	wrdreg $0x60  }
0xae: {  	[dreg:$0x2] =	wrdreg s24  }
0xaf: {  	[dreg:$0x3] =	wrdreg $0x9  }
0xb0: {  	_ =	task.clear_ibuf [dreg:s6], $0x4FFFF;
	_ =	strace $0x90000046  }
0xb1: {  	s29 =	simm.s32 $0x9;
	_ =	strace $0x80000048  }
0xb2: {  	_ =	swait.ge [sflag:s29], $0x1  }
0xb3: {  	[sflag:s29] =	ssyncadd.s32 $0xFFFFFFFF  }
0xb4: {  	_ =	strace $0x90000048  }
0xb5: {  	_ =	sfence  }
0xb6: {  	s30 =	sld [smem:$0x0];
	_ =	sdelay $0x2  }
0xb7: {  	s31 =	sshll.u32 s1, $0xD;
	s1 =	sshrl.u32 s1, $0x2  }
0xb8: {  	s3 =	sand.u32 $0x4000, s31;
	s1 =	sadd.s32 s1, s30  }
0xb9: {  	s0 =	sor.u32 s3, s0;
	s1 =	sshll.u32 s1, $0x11  }
0xba: {  	s0 =	sor.u32 s1, s0  }
0xbb: {  	s0 =	sadd.s32 $0x8F2B, s0  }
0xbc: {  	[sflag:s0] =	ssyncadd.remote.s32 $0x1  }
0xbd: {  	_ =	sfence.sel $0xFFFF  }
0xbe: {  	[dreg:$0x0] =	wrdreg $0xFFFFFFFF;
	(pc) =	sbr.abs _section_cstart, $3  }
0xbf: {  	[dreg:$0x1] =	wrdreg $0xFFFFFFFF  }
0xc0: {  	_ =	task.clear_ibuf [dreg:s6], $0x2FFFF;
	_ =	strace $0x9FFFFFFF  }
0xc1: {  	(tm) =	ssettm $0x7FFFFFFF  }
tec
execute0_lowered:
.L_overlay_start_1:
0x0: {  	(tag) =	ssettag $0x1  }
0x1: {  	s4 =	rddreg [dreg:$0x0]  }
0x2: {  	s0 =	rddreg [dreg:$0x1]  }
0x3: {  	s2 =	simm.s32 $0x0;
	s3 =	srdreg.scid;
	s1 =	stileid.u32  }
0x4: {  	s17 =	simm.s32 $0x100;
	s18 =	simm.s32 $0x3;
	s19 =	simm.s32 $0x2  }
0x5: {  	s20 =	simm.s32 $0x900;
	s21 =	simm.s32 $0x4;
	s14 =	smul.u32 $0x30E, s1  }
0x6: {  	s22 =	simm.s32 $0x5;
	s11 =	sand.u32 $0x1, s3;
	s16 =	smul.u32 $0x30E00, s1  }
0x7: {  	[smem:$0x7FF] =	sst s2;
	s23 =	sshll.u32 s1, $0x1;
	s15 =	smul.u32 $0x187, s11  }
0x8: {  	s12 =	sadd.s32 $0x1BA400, s4;
	s5 =	sor.u32 s11, s23;
	s31 =	smul.u32 $0x18700, s11  }
0x9: {  	s3 =	sadd.s32 $0x310000, s4;
	s13 =	sadd.s32 $0x340E00, s4;
	s7 =	smul.u32 $0xC380, s5  }
0xa: {  	_ =	strace $0x80000047;
	s6 =	ssub.s32 $0x2, s11;
	s8 =	smul.u32 $0x1870, s5  }
0xb: {  	s23 =	simm.s32 $0x6;
	s24 =	sshrl.u32 s6, $0x1;
	s26 =	smul.u32 $0xC3800, s5  }
0xc: {  	s28 =	smul.u32 $0x18700, s5;
	s16 =	sadd.s32 s16, s13;
	s9 =	ssub.s32 s6, s24  }
0xd: {  	s14 =	sadd.s32 s15, s14;
	s24 =	simm.s32 $0x0;
	s25 =	sshrl.u32 s7, $0x3  }
0xe: {  	s4 =	sadd.s32 s12, s8;
	s29 =	sshrl.u32 s26, $0x3;
	s10 =	sadd.s32 s13, s28  }
0xf: {  	s7 =	smax.u32 s9, $0x1;
	s15 =	sshll.u32 s14, $0x4;
	s14 =	sshll.u32 s14, $0x8  }
0x10: {  	s6 =	sadd.s32 s12, s25;
	s8 =	sadd.s32 $0x18400, s10;
	s9 =	sadd.s32 $0x1860, s4  }
0x11: {  	s10 =	sadd.s32 $0x18500, s10;
	s15 =	sadd.s32 s15, s12;
	s30 =	sadd.s32 s13, s14  }
0x12: {  	s14 =	sadd.s32 s31, s16;
	s16 =	simm.s32 $0x80;
	s5 =	sadd.s32 $0x10, s6  }
0x13: {  	s6 =	sadd.s32 s13, s29;
	s11 =	sadd.s32 $0x30, s15;
	s12 =	sadd.s32 $0x100, s30  }
0x14: {  	s13 =	sadd.s32 $0x20, s15;
	s15 =	simm.s32 $0x1;
	s6 =	sadd.s32 $0x18600, s6  }
.LBB2_1:
0x15: {  	[tilespmem:s2], [sflag:$0x1] =	stream.linear.gather [hbm4b:s4+s2], $0x80, $0x38;
	[tilespmem:$0x1100] =	vst v63  }
0x16: {  	_ =	swait.ge [sflag:s15], $0x80  }
0x17: {  	[sflag:s15] =	ssyncset.done $0x0  }
0x18: {  	[sflag:s15] =	ssyncadd.s32 $0xFFFFFF80  }
0x19: {  	[tilespmem:s17], [sflag:$0x3] =	stream.indirect.gather [hbm4b:s3+s16], $0x10, s2, s16, $0xb8;
	[tilespmem:$0x1100] =	vst v63  }
0x1a: {  	_ = 	snop  }
0x1b: {  	[tilespmem:s16], [sflag:$0x2] =	stream.linear.gather [hbm4b:s5+s2], $0x80, $0x38;
	[tilespmem:$0x1100] =	vst v63  }
0x1c: {  	_ =	swait.ge [sflag:s18], $0x800  }
0x1d: {  	[sflag:s18] =	ssyncset.done $0x0  }
0x1e: {  	[sflag:s18] =	ssyncadd.s32 $0xFFFFF800  }
0x1f: {  	[hbm4b:s14+s2] =	stream.linear.scatter [tilespmem:s17], [sflag:$0x5], $0x800, $0x38;
	[tilespmem:$0x1100] =	vst v63  }
0x20: {  	_ =	swait.ge [sflag:s19], $0x80  }
0x21: {  	[sflag:s19] =	ssyncset.done $0x0  }
0x22: {  	[sflag:s19] =	ssyncadd.s32 $0xFFFFFF80  }
0x23: {  	[tilespmem:s20], [sflag:$0x4] =	stream.indirect.gather [hbm4b:s3+s16], $0x10, s16, s16, $0xb8;
	[tilespmem:$0x1100] =	vst v63  }
0x24: {  	s25 =	sadd.s32 $0x0, s13  }
0x25: {  	[tilespmem:s2], [sflag:$0x1] =	stream.linear.gather [hbm4b:s25+s2], $0x80, $0x38;
	[tilespmem:$0x1100] =	vst v63  }
0x26: {  	_ =	swait.ge [sflag:s21], $0x800  }
0x27: {  	[sflag:s21] =	ssyncset.done $0x0  }
0x28: {  	[sflag:s21] =	ssyncadd.s32 $0xFFFFF800  }
0x29: {  	[hbm4b:s12+s2] =	stream.linear.scatter [tilespmem:s20], [sflag:$0x6], $0x800, $0x38;
	[tilespmem:$0x1100] =	vst v63  }
0x2a: {  	s31 =	sadd.s32 $0x0, s11  }
0x2b: {  	[tilespmem:s16], [sflag:$0x2] =	stream.linear.gather [hbm4b:s31+s2], $0x80, $0x38;
	[tilespmem:$0x1100] =	vst v63  }
0x2c: {  	_ =	swait.ge [sflag:s22], $0x800  }
0x2d: {  	[sflag:s22] =	ssyncset.done $0x0  }
0x2e: {  	[sflag:s22] =	ssyncadd.s32 $0xFFFFF800  }
0x2f: {  	_ =	swait.ge [sflag:s15], $0x80  }
0x30: {  	[sflag:s15] =	ssyncset.done $0x0  }
0x31: {  	[sflag:s15] =	ssyncadd.s32 $0xFFFFFF80  }
0x32: {  	[tilespmem:s17], [sflag:$0x3] =	stream.indirect.gather [hbm4b:s3+s16], $0x10, s2, s16, $0xb8;
	[tilespmem:$0x1100] =	vst v63  }
0x33: {  	s26 =	smov.u32 s12;
	_ =	swait.ge [sflag:s23], $0x800  }
0x34: {  	s28 =	smov.u32 s14;
	s25 =	simm.s32 $0x20;
	[sflag:s23] =	ssyncset.done $0x0  }
.LBB2_2:
0x35: {  	[sflag:s23] =	ssyncadd.s32 $0xFFFFF800  }
0x36: {  	s26 =	sadd.s32 $0x200, s26;
	s28 =	sadd.s32 $0x200, s28;
	s29 =	smov.u32 s25  }
0x37: {  	p0 =	sne.s32 s25, $0x1820;
	s25 =	sadd.s32 $0x20, s25;
	_ =	swait.ge [sflag:s18], $0x800  }
0x38: {  	[sflag:s18] =	ssyncset.done $0x0  }
0x39: {  	[sflag:s18] =	ssyncadd.s32 $0xFFFFF800  }
0x3a: {  	[hbm4b:s28+s2] =	stream.linear.scatter [tilespmem:s17], [sflag:$0x5], $0x800, $0x38;
	[tilespmem:$0x1100] =	vst v63  }
0x3b: {  	_ =	swait.ge [sflag:s19], $0x80  }
0x3c: {  	[sflag:s19] =	ssyncset.done $0x0  }
0x3d: {  	[sflag:s19] =	ssyncadd.s32 $0xFFFFFF80  }
0x3e: {  	[tilespmem:s20], [sflag:$0x4] =	stream.indirect.gather [hbm4b:s3+s16], $0x10, s16, s16, $0xb8;
	[tilespmem:$0x1100] =	vst v63  }
0x3f: {  	s30 =	sadd.s32 s29, s13  }
0x40: {  	[tilespmem:s2], [sflag:$0x1] =	stream.linear.gather [hbm4b:s30+s2], $0x80, $0x38;
	[tilespmem:$0x1100] =	vst v63  }
0x41: {  	_ =	swait.ge [sflag:s21], $0x800  }
0x42: {  	[sflag:s21] =	ssyncset.done $0x0  }
0x43: {  	[sflag:s21] =	ssyncadd.s32 $0xFFFFF800  }
0x44: {  	[hbm4b:s26+s2] =	stream.linear.scatter [tilespmem:s20], [sflag:$0x6], $0x800, $0x38;
	[tilespmem:$0x1100] =	vst v63  }
0x45: {  	s29 =	sadd.s32 s29, s11  }
0x46: {  	[tilespmem:s16], [sflag:$0x2] =	stream.linear.gather [hbm4b:s29+s2], $0x80, $0x38;
	[tilespmem:$0x1100] =	vst v63  }
0x47: {  	_ =	swait.ge [sflag:s22], $0x800  }
0x48: {  	[sflag:s22] =	ssyncset.done $0x0  }
0x49: {  	[sflag:s22] =	ssyncadd.s32 $0xFFFFF800  }
0x4a: {  	_ =	swait.ge [sflag:s15], $0x80  }
.Ltmp0:
0x4b: {  	[sflag:s15] =	ssyncset.done $0x0;
	(pc) =	sbr.rel @p0 .LBB2_2-.Ltmp0, $4  }
0x4c: {  	[sflag:s15] =	ssyncadd.s32 $0xFFFFFF80  }
0x4d: {  	[tilespmem:s17], [sflag:$0x3] =	stream.indirect.gather [hbm4b:s3+s16], $0x10, s2, s16, $0xb8;
	[tilespmem:$0x1100] =	vst v63  }
0x4e: {  	_ =	swait.ge [sflag:s23], $0x800  }
0x4f: {  	[sflag:s23] =	ssyncset.done $0x0  }
0x50: {  	[sflag:s23] =	ssyncadd.s32 $0xFFFFF800  }
0x51: {  	_ =	swait.ge [sflag:s18], $0x800  }
0x52: {  	[sflag:s18] =	ssyncset.done $0x0  }
0x53: {  	[sflag:s18] =	ssyncadd.s32 $0xFFFFF800  }
0x54: {  	[hbm4b:s8+s2] =	stream.linear.scatter [tilespmem:s17], [sflag:$0x5], $0x800, $0x38;
	[tilespmem:$0x1100] =	vst v63  }
0x55: {  	_ =	swait.ge [sflag:s19], $0x80  }
0x56: {  	[sflag:s19] =	ssyncset.done $0x0  }
0x57: {  	[sflag:s19] =	ssyncadd.s32 $0xFFFFFF80  }
0x58: {  	[tilespmem:s20], [sflag:$0x4] =	stream.indirect.gather [hbm4b:s3+s16], $0x10, s16, s16, $0xb8;
	[tilespmem:$0x1100] =	vst v63  }
0x59: {  	_ = 	snop  }
0x5a: {  	[tilespmem:s2], [sflag:$0x1] =	stream.linear.gather [hbm4b:s9+s2], $0x80, $0x38;
	[tilespmem:$0x1100] =	vst v63  }
0x5b: {  	_ =	swait.ge [sflag:s21], $0x800  }
0x5c: {  	[sflag:s21] =	ssyncset.done $0x0  }
0x5d: {  	[sflag:s21] =	ssyncadd.s32 $0xFFFFF800  }
0x5e: {  	[hbm4b:s10+s2] =	stream.linear.scatter [tilespmem:s20], [sflag:$0x6], $0x800, $0x38;
	[tilespmem:$0x1100] =	vst v63  }
0x5f: {  	_ =	swait.ge [sflag:s22], $0x800  }
0x60: {  	[sflag:s22] =	ssyncset.done $0x0  }
0x61: {  	[sflag:s22] =	ssyncadd.s32 $0xFFFFF800  }
0x62: {  	_ =	swait.ge [sflag:s15], $0x80  }
0x63: {  	[sflag:s15] =	ssyncset.done $0x0  }
0x64: {  	[sflag:s15] =	ssyncadd.s32 $0xFFFFFF80  }
0x65: {  	[tilespmem:s17], [sflag:$0x3] =	stream.indirect.gather [hbm4b:s3+s16], $0x10, s2, s16, $0xb8;
	[tilespmem:$0x1100] =	vst v63  }
0x66: {  	_ =	swait.ge [sflag:s23], $0x800  }
0x67: {  	[sflag:s23] =	ssyncset.done $0x0  }
0x68: {  	[sflag:s23] =	ssyncadd.s32 $0xFFFFF800  }
0x69: {  	s24 =	sadd.s32 $0x1, s24;
	_ =	swait.ge [sflag:s18], $0x800  }
0x6a: {  	p0 =	sne.s32 s24, s7;
	[sflag:s18] =	ssyncset.done $0x0  }
.Ltmp1:
0x6b: {  	[sflag:s18] =	ssyncadd.s32 $0xFFFFF800;
	(pc) =	sbr.rel @p0 .LBB2_1-.Ltmp1, $4  }
0x6c: {  	[hbm4b:s6+s2] =	stream.linear.scatter [tilespmem:s17], [sflag:$0x5], $0x800, $0x38;
	[tilespmem:$0x1100] =	vst v63  }
0x6d: {  	_ =	swait.ge [sflag:s22], $0x800  }
0x6e: {  	[sflag:s22] =	ssyncset.done $0x0  }
0x6f: {  	[sflag:s22] =	ssyncadd.s32 $0xFFFFF800  }
0x70: {  	_ =	sfence.sel $0x180000  }
0x71: {  	[bflag:$0x0] =	sbarrier.arrive $0xFFFF  }
0x72: {  	p0 =	sne.s32 s1, $0x0;
	_ =	strace $0x90000047  }
0x73: {  	s0 =	sadd.s32 @!p0 $0x100000, s0;
	[bflag:$0x2] =	sbarrier.arrive $0xFFFF  }
0x74: {  	[sflag:s0] =	ssyncadd.tile.s32 @!p0 $0x1;
	_ =	shalt  }
.Lfunc_end2:
_tile_overlayer_lowered:
.L_overlay_start_2:
0x75: {  	(tag) =	ssettag $0x2  }
0x76: {  	s0 =	rddreg [dreg:$0x0];
	s2 =	stileid.u32  }
0x77: {  	s1 =	rddreg [dreg:$0x1];
	p0 =	sne.s32 s2, $0x0  }
0x78: {  	s3 =	rddreg [dreg:$0x2];
	[bflag:$0x3] =	sbarrier.arrive $0xFFFF;
	s2 =	simm.s32 @!p0 $0x1C07  }
0x79: {  	[timem:s3], [sflag:s2] =	dma.local @!p0 [hbm:s0], s1  }
0x7a: {  	s0 =	simm.s32 @!p0 $0x7  }
0x7b: {  	_ =	swait.ge @!p0 [sflag:s0], s1  }
0x7c: {  	s1 =	ssub.s32 @!p0 $0x0, s1;
	[sflag:s0] =	ssyncset.done @!p0 $0x0  }
0x7d: {  	[sflag:s0] =	ssyncadd.s32 @!p0 s1  }
0x7e: {  	[bflag:$0x3] =	sbarrier.arrive $0xFFFF  }
0x7f: {  	_ =	shalt  }

// kernel: kernel.9.cloned.1.call-start
scs
__scs_entry_jumppad:
0x0: {  	(pc) =	sbr.rel $0x88, $3  }
0x1: {  	(tag) =	ssettag $0x0;
	lr =	simm.s32 $0x1  }
0x2: {  	[smem:$0x3F91] =	sst lr;
	_ =	strace $0xD0000000  }
0x3: {  	_ = 	snop  }
0x4: {  	_ = 	snop  }
0x5: {  	_ = 	snop  }
0x6: {  	_ = 	snop  }
0x7: {  	_ = 	snop  }
__scs_overlays_trampoline_lowered:
0x8: {  	[smem:$0x3FA0] =	sst s0  }
0x9: {  	[smem:$0x3FA1] =	sst s1  }
0xa: {  	[smem:$0x3FA2] =	sst s2  }
0xb: {  	[smem:$0x3FA3] =	sst s3  }
0xc: {  	[smem:$0x3FA4] =	sst s4  }
0xd: {  	[smem:$0x3FA5] =	sst s5  }
0xe: {  	[smem:$0x3FA6] =	sst s6  }
0xf: {  	[smem:$0x3FA7] =	sst s7  }
0x10: {  	[smem:$0x3FA8] =	sst s8  }
0x11: {  	[smem:$0x3FA9] =	sst s9;
	s0 =	simm.s32 @!p0 $0x0  }
0x12: {  	s1 =	sld [smem:$0x3F8F];
	s0 =	simm.s32 @p0 $0x1  }
0x13: {  	[smem:$0x3FAA] =	sst s0;
	s0 =	simm.s32 @!p1 $0x0  }
0x14: {  	s2 =	sld [smem:$0x3F8E];
	s0 =	simm.s32 @p1 $0x1  }
0x15: {  	[smem:$0x3FAB] =	sst s0;
	s0 =	simm.s32 @!p2 $0x0  }
0x16: {  	s3 =	sld [smem:$0x3FDB];
	s0 =	simm.s32 @p2 $0x1  }
0x17: {  	s4 =	simm.s32 $0x1BF5;
	[smem:$0x3FAD] =	sst s0  }
0x18: {  	s0 =	sld [smem:$0x3F90];
	_ =	swait.ge [sflag:s4], $0x0  }
0x19: {  	s7 =	sld [smem:$0x3F91]  }
0x1a: {  	s8 =	sadd.s32 $0xFFFFE003, lr  }
0x1b: {  	s9 =	sadd.s32 $0xFFFFFEF7, lr;
	s5 =	simm.s32 $0xFFFFFFFF;
	p2 =	slt.u32 s8, $0xFFFFF086  }
0x1c: {  	p1 =	slt.u32 s9, $0xF7A;
	s5 =	simm.s32 @!p2 $0x0  }
0x1d: {  	s5 =	simm.s32 @p1 $0x1;
	p0 =	seq.s32 s7, s2  }
0x1e: {  	s7 =	smul.u32 @!p0 $0xF7A, s2;
	p2 =	seq.s32 @!p0 s5, $0x0  }
0x1f: {  	s9 =	smul.u32 $0xF7A, s1;
	s8 =	simm.s32 @!p0 $0x1BF5;
	p2 =	por !p2, p0  }
0x20: {  	[sflag:s8] =	ssyncset.s32 @!p0 $0xFFFFF086;
	s6 =	sadd.s32 @!p0 s3, s7;
	s7 =	simm.s32 @!p0 $0x108  }
0x21: {  	s3 =	sadd.s32 s3, s9;
	s6 =	sadd.s32 @!p0 $0x88, s6;
	s7 =	simm.s32 @p2 $0x1082  }
0x22: {  	[simem:s7], [sflag:s8] =	dma.local @!p0 [hbm:s6], $0xF7A  }
0x23: {  	s9 =	sor.u32 $0xD0000000, s2;
	s6 =	simm.s32 $0x108;
	_ =	swait.ge @!p0 [sflag:s8], $0x0  }
0x24: {  	s3 =	sadd.s32 $0x88, s3;
	s6 =	simm.s32 @!p1 $0x1082;
	[sflag:s4] =	ssyncset.s32 $0xFFFFF086  }
0x25: {  	[simem:s6], [sflag:s4] =	dma.local [hbm:s3], $0xF7A  }
0x26: {  	[smem:$0x3F91] =	sst s1;
	(tag) =	ssettag s2;
	_ =	strace s9  }
0x27: {  	s1 =	sld [smem:$0x3FA1]  }
0x28: {  	s2 =	sld [smem:$0x3FA2]  }
0x29: {  	s4 =	sld [smem:$0x3FA4]  }
0x2a: {  	p0 =	seq.s32 s5, $0x0;
	s5 =	sld [smem:$0x3FA5]  }
0x2b: {  	s6 =	sld [smem:$0x3FA6]  }
0x2c: {  	s7 =	sld [smem:$0x3FA7]  }
0x2d: {  	s3 =	simm.s32 $0x108;
	s8 =	sld [smem:$0x3FA8]  }
0x2e: {  	s3 =	simm.s32 @!p0 $0x1082;
	s9 =	sld [smem:$0x3FA9]  }
0x2f: {  	lr =	sadd.s32 s0, s3;
	s0 =	sld [smem:$0x3FA0]  }
0x30: {  	s3 =	sld [smem:$0x3FA3]  }
0x31: {  	[smem:$0x3FAC] =	sst s10  }
0x32: {  	s10 =	sld [smem:$0x3FAA];
	_ =	sdelay $0x3  }
0x33: {  	p0 =	seq.s32 s10, $0x1;
	s10 =	sld [smem:$0x3FAC];
	_ =	sdelay $0x3  }
0x34: {  	[smem:$0x3FAC] =	sst s10  }
0x35: {  	s10 =	sld [smem:$0x3FAB];
	_ =	sdelay $0x3  }
0x36: {  	p1 =	seq.s32 s10, $0x1;
	s10 =	sld [smem:$0x3FAC];
	_ =	sdelay $0x3  }
0x37: {  	[smem:$0x3FAC] =	sst s10  }
0x38: {  	s10 =	sld [smem:$0x3FAD]  }
0x39: {  	_ = 	snop;
	(pc) =	sbr.ind lr, $3  }
0x3a: {  	_ = 	snop  }
0x3b: {  	_ = 	snop  }
0x3c: {  	p2 =	seq.s32 s10, $0x1;
	s10 =	sld [smem:$0x3FAC]  }
0x3d: {  	_ =	shalt  }
0x3e: {  	_ =	shalt  }
0x3f: {  	_ =	shalt  }
0x40: {  	_ =	shalt  }
0x41: {  	_ =	shalt  }
0x42: {  	_ =	shalt  }
0x43: {  	_ =	shalt  }
0x44: {  	_ =	shalt  }
0x45: {  	_ =	shalt  }
0x46: {  	_ =	shalt  }
0x47: {  	_ =	shalt  }
0x48: {  	_ =	shalt  }
0x49: {  	_ =	shalt  }
0x4a: {  	_ =	shalt  }
0x4b: {  	_ =	shalt  }
0x4c: {  	_ =	shalt  }
0x4d: {  	_ =	shalt  }
0x4e: {  	_ =	shalt  }
0x4f: {  	_ =	shalt  }
0x50: {  	_ =	shalt  }
0x51: {  	_ =	shalt  }
0x52: {  	_ =	shalt  }
0x53: {  	_ =	shalt  }
0x54: {  	_ =	shalt  }
0x55: {  	_ =	shalt  }
0x56: {  	_ =	shalt  }
0x57: {  	_ =	shalt  }
0x58: {  	_ =	shalt  }
0x59: {  	_ =	shalt  }
0x5a: {  	_ =	shalt  }
0x5b: {  	_ =	shalt  }
0x5c: {  	_ =	shalt  }
0x5d: {  	_ =	shalt  }
0x5e: {  	_ =	shalt  }
0x5f: {  	_ =	shalt  }
0x60: {  	_ =	shalt  }
0x61: {  	_ =	shalt  }
0x62: {  	_ =	shalt  }
0x63: {  	_ =	shalt  }
0x64: {  	_ =	shalt  }
0x65: {  	_ =	shalt  }
0x66: {  	_ =	shalt  }
0x67: {  	_ =	shalt  }
0x68: {  	_ =	shalt  }
0x69: {  	_ =	shalt  }
0x6a: {  	_ =	shalt  }
0x6b: {  	_ =	shalt  }
0x6c: {  	_ =	shalt  }
0x6d: {  	_ =	shalt  }
0x6e: {  	_ =	shalt  }
0x6f: {  	_ =	shalt  }
0x70: {  	_ =	shalt  }
0x71: {  	_ =	shalt  }
0x72: {  	_ =	shalt  }
0x73: {  	_ =	shalt  }
0x74: {  	_ =	shalt  }
0x75: {  	_ =	shalt  }
0x76: {  	_ =	shalt  }
0x77: {  	_ =	shalt  }
0x78: {  	_ =	shalt  }
0x79: {  	_ =	shalt  }
0x7a: {  	_ =	shalt  }
0x7b: {  	_ =	shalt  }
0x7c: {  	_ =	shalt  }
0x7d: {  	_ =	shalt  }
0x7e: {  	_ =	shalt  }
0x7f: {  	_ =	shalt  }
0x80: {  	_ =	shalt  }
0x81: {  	_ =	shalt  }
0x82: {  	_ =	shalt  }
0x83: {  	_ =	shalt  }
0x84: {  	_ =	shalt  }
0x85: {  	_ =	shalt  }
0x86: {  	_ =	shalt  }
0x87: {  	_ =	shalt  }
.Lfunc_end0:
.L_simem_size_0:
called_computation.1_lowered:
.L_overlay_start_0:
0x88: {  	s2 =	sld [smem:$0x3FD9]  }
0x89: {  	s3 =	sld [smem:$0x3FFE];
	_ =	sdelay $0x1  }
0x8a: {  	s1 =	srdreg.scid  }
0x8b: {  	s0 =	sand.u32 $0x1, s1  }
0x8c: {  	s16 =	sshll.u32 s0, $0xA;
	s2 =	sadd.s32 s3, s2  }
0x8d: {  	s2 =	sadd.s32 s2, s16  }
0x8e: {  	[smem:$0x3FB8] =	sst s2  }
0x8f: {  	_ = 	snop  }
0x90: {  	(tm) =	ssettm $0x1  }
0x91: {  	s17 =	sld [smem:$0x3FFB];
	_ =	sdelay $0x3  }
0x92: {  	_ =	strace s17  }
0x93: {  	s2 =	sld [smem:$0x3FFC];
	_ =	sdelay $0x3  }
0x94: {  	_ =	strace s2  }
0x95: {  	s2 =	sld [smem:$0x3FFD];
	_ =	sdelay $0x3  }
0x96: {  	_ =	strace s2  }
0x97: {  	_ =	strace $0x8FFFFFFF  }
0x98: {  	s18 =	sld [smem:$0x3FDB];
	_ =	sdelay $0x1  }
0x99: {  	s19 =	simm.s32 $_scs_section_size  }
0x9a: {  	s4 =	simm.s32 $_size__tile_overlayer_lowered;
	s5 =	simm.s32 $_tile_overlayer_lowered  }
0x9b: {  	s22 =	simm.s32 $0x1BFF;
	s21 =	sshll.u32 s5, $0x1;
	s2 =	sadd.s32 s19, s18  }
0x9c: {  	s6 =	simm.s32 $0x0;
	s20 =	sshll.u32 s4, $0x1;
	s4 =	sadd.s32 s21, s2  }
0x9d: {  	[timem:s6], [sflag:s22] =	dma.local [hbm:s4], s20  }
0x9e: {  	_ =	swait.ge [sflag:s22], s20  }
0x9f: {  	s3 =	ssub.s32 $0x0, s20;
	[sflag:s22] =	ssyncset.done $0x0  }
0xa0: {  	[sflag:s22] =	ssyncadd.s32 s3;
	_ =	sdelay $0x1  }
0xa1: {  	s23 =	simm.s32 $0x1B8B  }
0xa2: {  	_ =	swait.ge [sflag:s23], $0x1  }
0xa3: {  	[sflag:s23] =	ssyncset.done $0x0  }
0xa4: {  	s25 =	simm.s32 $0x1B8E;
	s24 =	sld [smem:$0x3FFE];
	[sflag:s23] =	ssyncadd.s32 $0xFFFFFFFF  }
0xa5: {  	s26 =	simm.s32 $execute0_lowered;
	[smem:$0x3FD2] =	sst s25  }
0xa6: {  	s4 =	sshll.u32 s26, $0x1;
	_ =	strace $0x80000049;
	[dreg:$0x1] =	wrdreg $0xFFFFFFFF  }
0xa7: {  	s28 =	simm.s32 $_size_execute0_lowered;
	s2 =	sadd.s32 s2, s4;
	[dreg:$0x0] =	wrdreg $0x0  }
0xa8: {  	s4 =	sshll.u32 s28, $0x1;
	[dreg:$0x2] =	wrdreg s2  }
0xa9: {  	[dreg:$0x3] =	wrdreg s4  }
0xaa: {  	[dreg:$0x4] =	wrdreg $0xC0  }
0xab: {  	_ =	task [dreg:s6], $0x5FFFF  }
0xac: {  	[dreg:$0x1] =	wrdreg $0xFFFFFFFF  }
0xad: {  	[dreg:$0x0] =	wrdreg $0x60  }
0xae: {  	[dreg:$0x2] =	wrdreg s24  }
0xaf: {  	[dreg:$0x3] =	wrdreg $0x48D00  }
0xb0: {  	[dreg:$0x4] =	wrdreg $0x9  }
0xb1: {  	_ =	task.clear_ibuf [dreg:s6], $0x5FFFF;
	_ =	strace $0x90000049  }
0xb2: {  	s29 =	simm.s32 $0x9;
	_ =	strace $0x8000004B  }
0xb3: {  	_ =	swait.ge [sflag:s29], $0x1  }
0xb4: {  	[sflag:s29] =	ssyncadd.s32 $0xFFFFFFFF  }
0xb5: {  	_ =	strace $0x9000004B  }
0xb6: {  	_ =	sfence  }
0xb7: {  	s30 =	sld [smem:$0x0];
	_ =	sdelay $0x2  }
0xb8: {  	s31 =	sshll.u32 s1, $0xD;
	s1 =	sshrl.u32 s1, $0x2  }
0xb9: {  	s3 =	sand.u32 $0x4000, s31;
	s1 =	sadd.s32 s1, s30  }
0xba: {  	s0 =	sor.u32 s3, s0;
	s1 =	sshll.u32 s1, $0x11  }
0xbb: {  	s0 =	sor.u32 s1, s0  }
0xbc: {  	s0 =	sadd.s32 $0x8F2B, s0  }
0xbd: {  	[sflag:s0] =	ssyncadd.remote.s32 $0x1  }
0xbe: {  	_ =	sfence.sel $0xFFFF  }
0xbf: {  	[dreg:$0x0] =	wrdreg $0xFFFFFFFF;
	(pc) =	sbr.abs _section_cstart, $3  }
0xc0: {  	[dreg:$0x1] =	wrdreg $0xFFFFFFFF  }
0xc1: {  	_ =	task.clear_ibuf [dreg:s6], $0x2FFFF;
	_ =	strace $0x9FFFFFFF  }
0xc2: {  	(tm) =	ssettm $0x7FFFFFFF  }
0xc3: {  	_ =	shalt  }
tec
execute0_lowered:
.L_overlay_start_1:
0x0: {  	(tag) =	ssettag $0x1  }
0x1: {  	s0 =	rddreg [dreg:$0x0]  }
0x2: {  	s1 =	rddreg [dreg:$0x1];
	s3 =	simm.s32 $0x0;
	s13 =	stileid.u32  }
0x3: {  	s2 =	srdreg.scid;
	s30 =	simm.s32 $0x5;
	s6 =	smul.u32 $0x61AC0, s13  }
0x4: {  	s31 =	simm.s32 $0x1100;
	s5 =	sadd.s32 $0x1EB400, s0;
	s9 =	smul.u32 $0x61C000, s13  }
0x5: {  	[smem:$0x7FF] =	sst s3;
	s4 =	sadd.s32 $0x21C200, s0;
	s16 =	smul.u32 $0x30E0, s13  }
0x6: {  	s2 =	sand.u32 $0x1, s2;
	s19 =	sadd.s32 $0x189600, s0;
	s12 =	smul.u32 $0x61A80, s13  }
0x7: {  	s0 =	sadd.s32 $0xE54200, s0;
	s15 =	sshll.u32 s13, $0x6;
	s13 =	smul.u32 $0x30E, s13  }
0x8: {  	_ =	strace $0x8000004A;
	s7 =	ssub.s32 $0x2, s2;
	s2 =	sshll.u32 s2, $0x5  }
0x9: {  	s8 =	sshrl.u32 s7, $0x1;
	s6 =	sshrl.u32 s6, $0x2;
	s16 =	sadd.s32 s5, s16  }
0xa: {  	s20 =	sor.u32 s2, s12;
	s21 =	sshrl.u32 s12, $0x2;
	s25 =	sadd.s32 $0x30D, s13  }
0xb: {  	s8 =	ssub.s32 s7, s8;
	s6 =	sadd.s32 s6, s1;
	s7 =	sor.u32 $0x1C05, s15  }
0xc: {  	s15 =	sor.u32 $0x10, s2;
	s23 =	sadd.s32 s21, s1;
	s28 =	sshll.u32 s25, $0xD  }
0xd: {  	s13 =	sshll.u32 s25, $0x4;
	[dreg:$0x6] =	wrdreg s16;
	s29 =	sadd.s32 $0x20, s16  }
0xe: {  	s16 =	simm.s32 $0x1;
	s10 =	sadd.s32 $0x6FA0, s6;
	[dreg:$0x9] =	wrdreg s23  }
0xf: {  	s22 =	sadd.s32 $0x37D0, s6;
	s11 =	sadd.s32 $0xA770, s6;
	[dreg:$0x3] =	wrdreg s10  }
0x10: {  	s14 =	sadd.s32 $0xDF40, s6;
	s24 =	sor.u32 s12, s15;
	[dreg:$0x4] =	wrdreg s11  }
0x11: {  	s8 =	smax.u32 s8, $0x1;
	s11 =	sor.u32 s2, s9;
	[dreg:$0x5] =	wrdreg s14  }
0x12: {  	s10 =	sshrl.u32 s20, $0x3;
	s9 =	sor.u32 s9, s15;
	s26 =	sshrl.u32 s24, $0x3  }
0x13: {  	[dreg:$0xc] =	wrdreg s8;
	s14 =	sor.u32 s15, s28;
	s17 =	sshrl.u32 s11, $0x3  }
0x14: {  	s10 =	sadd.s32 s0, s10;
	s9 =	sshrl.u32 s9, $0x3;
	s0 =	sadd.s32 s0, s26  }
0x15: {  	s15 =	sshrl.u32 s14, $0x3;
	s20 =	sadd.s32 $0x4010, s11;
	s21 =	sor.u32 $0x2010, s11  }
0x16: {  	s26 =	sadd.s32 $0x11710, s6;
	s14 =	simm.s32 $0x80;
	[dreg:$0x8] =	wrdreg s10  }
0x17: {  	s18 =	sadd.s32 s4, s17;
	s9 =	sadd.s32 s4, s9;
	[dreg:$0xb] =	wrdreg s0  }
0x18: {  	s17 =	sadd.s32 $0x4000, s11;
	s24 =	sshrl.u32 s20, $0x3;
	[dreg:$0x11] =	wrdreg s26  }
0x19: {  	s25 =	sshrl.u32 s21, $0x3;
	s20 =	simm.s32 $0x4;
	[dreg:$0x7] =	wrdreg s18  }
0x1a: {  	s21 =	simm.s32 $0x0;
	[dreg:$0xa] =	wrdreg s9;
	s9 =	sor.u32 s2, s28  }
0x1b: {  	s2 =	sadd.s32 s5, s13;
	[dreg:$0x10] =	wrdreg s17;
	s18 =	sor.u32 $0x2000, s11  }
0x1c: {  	s24 =	sadd.s32 s24, s4;
	s25 =	sadd.s32 s25, s4;
	s28 =	sadd.s32 $0x14EE0, s6  }
0x1d: {  	s13 =	simm.s32 $0x100;
	s0 =	sshrl.u32 s9, $0x3;
	[dreg:$0xd] =	wrdreg s2  }
0x1e: {  	s17 =	simm.s32 $0x3;
	[dreg:$0x12] =	wrdreg s28;
	s0 =	sadd.s32 s4, s0  }
0x1f: {  	s2 =	simm.s32 $0x40;
	[dreg:$0xe] =	wrdreg s0;
	s0 =	sadd.s32 s4, s15  }
0x20: {  	s15 =	simm.s32 $0x900;
	[dreg:$0xf] =	wrdreg s0;
	s0 =	sshrl.u32 s18, $0x3  }
0x21: {  	s18 =	simm.s32 $0x2;
	s23 =	sadd.s32 s0, s4;
	s0 =	simm.s32 $0x10  }
.LBB2_1:
0x22: {  	s5 =	sshrl.u32 s6, $0x3  }
0x23: {  	[spmem:s5], [sflag:s7] =	dma.local [hbm:s19], $0x30D6  }
0x24: {  	_ =	swait.ge [sflag:s30], $0x30D6  }
0x25: {  	[sflag:s30] =	ssyncset.done $0x0  }
0x26: {  	[sflag:s30] =	ssyncadd.s32 $0xFFFFCF2A  }
0x27: {  	[tilespmem:s31], [sflag:$0x5] =	stream.linear.gather [spmem:s6], $0x37D0, $0x38;
	[tilespmem:$0x1CF80] =	vst v63  }
0x28: {  	_ =	swait.ge [sflag:s30], $0x37D0  }
0x29: {  	[sflag:s30] =	ssyncset.done $0x0  }
0x2a: {  	[sflag:s30] =	ssyncadd.s32 $0xFFFFC830  }
0x2b: {  	[tilespmem:s31], [sflag:$0x5] =	stream.linear.gather [spmem:s22], $0x37D0, $0x38;
	[tilespmem:$0x1CF80] =	vst v63  }
0x2c: {  	_ =	swait.ge [sflag:s30], $0x37D0  }
0x2d: {  	[sflag:s30] =	ssyncset.done $0x0  }
0x2e: {  	s8 =	rddreg [dreg:$0x3];
	[sflag:s30] =	ssyncadd.s32 $0xFFFFC830  }
0x2f: {  	[tilespmem:s31], [sflag:$0x5] =	stream.linear.gather [spmem:s8], $0x37D0, $0x38;
	[tilespmem:$0x1CF80] =	vst v63  }
0x30: {  	_ =	swait.ge [sflag:s30], $0x37D0  }
0x31: {  	[sflag:s30] =	ssyncset.done $0x0  }
0x32: {  	s26 =	smov.u32 s19;
	s19 =	rddreg [dreg:$0x4];
	[sflag:s30] =	ssyncadd.s32 $0xFFFFC830  }
0x33: {  	[tilespmem:s31], [sflag:$0x5] =	stream.linear.gather [spmem:s19], $0x37D0, $0x38;
	[tilespmem:$0x1CF80] =	vst v63  }
0x34: {  	_ =	swait.ge [sflag:s30], $0x37D0  }
0x35: {  	[sflag:s30] =	ssyncset.done $0x0  }
0x36: {  	s28 =	smov.u32 s22;
	s22 =	rddreg [dreg:$0x5];
	[sflag:s30] =	ssyncadd.s32 $0xFFFFC830  }
0x37: {  	[tilespmem:s31], [sflag:$0x5] =	stream.linear.gather [spmem:s22], $0x37D0, $0x38;
	[tilespmem:$0x1CF80] =	vst v63  }
0x38: {  	_ =	swait.ge [sflag:s30], $0x37D0  }
0x39: {  	[sflag:s30] =	ssyncset.done $0x0  }
0x3a: {  	s9 =	rddreg [dreg:$0x11];
	[sflag:s30] =	ssyncadd.s32 $0xFFFFC830  }
0x3b: {  	[tilespmem:s31], [sflag:$0x5] =	stream.linear.gather [spmem:s9], $0x37D0, $0x38;
	[tilespmem:$0x1CF80] =	vst v63  }
0x3c: {  	_ =	swait.ge [sflag:s30], $0x37D0  }
0x3d: {  	[sflag:s30] =	ssyncset.done $0x0  }
0x3e: {  	s10 =	rddreg [dreg:$0x12];
	[sflag:s30] =	ssyncadd.s32 $0xFFFFC830  }
0x3f: {  	[tilespmem:s31], [sflag:$0x5] =	stream.linear.gather [spmem:s10], $0x37D0, $0x38;
	[tilespmem:$0x1CF80] =	vst v63  }
0x40: {  	_ =	swait.ge [sflag:s30], $0x37D0  }
0x41: {  	[sflag:s30] =	ssyncset.done $0x0  }
0x42: {  	[sflag:s30] =	ssyncadd.s32 $0xFFFFC830  }
0x43: {  	[bflag:$0x0] =	sbarrier.arrive $0xFFFF  }
0x44: {  	s11 =	rddreg [dreg:$0x6]  }
0x45: {  	[tilespmem:s3], [sflag:$0x1] =	stream.linear.gather [hbm4b:s11+s3], $0x80, $0x38;
	[tilespmem:$0x1CF80] =	vst v63  }
0x46: {  	s12 =	rddreg [dreg:$0x7]  }
0x47: {  	[tilespmem:s13], [sflag:$0x3] =	stream.strided.gather [hbm4b:s12+s0], $0x800, s2, s0, $0x38;
	[tilespmem:$0x1CF80] =	vst v63  }
0x48: {  	s8 =	sadd.s32 $0xFFFFFFF0, s29  }
0x49: {  	[tilespmem:s14], [sflag:$0x2] =	stream.linear.gather [hbm4b:s8+s3], $0x80, $0x38;
	[tilespmem:$0x1CF80] =	vst v63  }
0x4a: {  	s9 =	sadd.s32 $0x0, s23  }
0x4b: {  	[tilespmem:s15], [sflag:$0x4] =	stream.strided.gather [hbm4b:s9+s0], $0x800, s2, s0, $0x38;
	[tilespmem:$0x1CF80] =	vst v63  }
0x4c: {  	_ =	swait.ge [sflag:s16], $0x80  }
0x4d: {  	[sflag:s16] =	ssyncset.done $0x0  }
0x4e: {  	[sflag:s16] =	ssyncadd.s32 $0xFFFFFF80  }
0x4f: {  	_ =	swait.ge [sflag:s17], $0x800  }
0x50: {  	[sflag:s17] =	ssyncset.done $0x0  }
0x51: {  	[sflag:s17] =	ssyncadd.s32 $0xFFFFF800  }
0x52: {  	[spmem:s1] =	stream.indirect.scatter.add.f32 [tilespmem:s13], [sflag:$0x5], $0x10, s3, s14, $0xb8;
	[tilespmem:$0x1CF80] =	vst v63  }
0x53: {  	_ =	swait.ge [sflag:s30], $0x800  }
0x54: {  	[sflag:s30] =	ssyncset.done $0x0;
	s22 =	rddreg [dreg:$0x10]  }
0x55: {  	[sflag:s30] =	ssyncadd.s32 $0xFFFFF800;
	s19 =	sshrl.u32 s22, $0x3  }
0x56: {  	[tilespmem:s3], [sflag:$0x1] =	stream.linear.gather [hbm4b:s29+s3], $0x80, $0x38;
	[tilespmem:$0x1CF80] =	vst v63  }
0x57: {  	s9 =	sadd.s32 s4, s19  }
0x58: {  	[tilespmem:s13], [sflag:$0x3] =	stream.strided.gather [hbm4b:s9+s0], $0x800, s2, s0, $0x38;
	[tilespmem:$0x1CF80] =	vst v63  }
0x59: {  	_ =	swait.ge [sflag:s18], $0x80  }
0x5a: {  	[sflag:s18] =	ssyncset.done $0x0  }
0x5b: {  	[sflag:s18] =	ssyncadd.s32 $0xFFFFFF80  }
0x5c: {  	_ =	swait.ge [sflag:s20], $0x800  }
0x5d: {  	[sflag:s20] =	ssyncset.done $0x0  }
0x5e: {  	[sflag:s20] =	ssyncadd.s32 $0xFFFFF800  }
0x5f: {  	[spmem:s1] =	stream.indirect.scatter.add.f32 [tilespmem:s15], [sflag:$0x5], $0x10, s14, s14, $0xb8;
	[tilespmem:$0x1CF80] =	vst v63  }
0x60: {  	s11 =	simm.s32 $0x800;
	_ =	swait.ge [sflag:s30], $0x800  }
0x61: {  	s12 =	simm.s32 $0x1000;
	s9 =	sadd.s32 $0x20, s29;
	[sflag:s30] =	ssyncset.done $0x0  }
.LBB2_2:
0x62: {  	s19 =	sadd.s32 $0xFFFFFFF0, s9  }
0x63: {  	[sflag:s30] =	ssyncadd.s32 $0xFFFFF800;
	s22 =	sadd.s32 $0x4000, s22;
	s10 =	smov.u32 s12  }
0x64: {  	[tilespmem:s14], [sflag:$0x2] =	stream.linear.gather [hbm4b:s19+s3], $0x80, $0x38;
	[tilespmem:$0x1CF80] =	vst v63  }
0x65: {  	p0 =	sne.s32 s12, $0xC2800;
	s12 =	sadd.s32 $0x800, s12;
	s11 =	sadd.s32 s11, s23  }
0x66: {  	[tilespmem:s15], [sflag:$0x4] =	stream.strided.gather [hbm4b:s11+s0], $0x800, s2, s0, $0x38;
	[tilespmem:$0x1CF80] =	vst v63  }
0x67: {  	s11 =	smov.u32 s10;
	_ =	swait.ge [sflag:s16], $0x80  }
0x68: {  	[sflag:s16] =	ssyncset.done $0x0  }
0x69: {  	[sflag:s16] =	ssyncadd.s32 $0xFFFFFF80  }
0x6a: {  	_ =	swait.ge [sflag:s17], $0x800  }
0x6b: {  	[sflag:s17] =	ssyncset.done $0x0  }
0x6c: {  	[sflag:s17] =	ssyncadd.s32 $0xFFFFF800  }
0x6d: {  	[spmem:s1] =	stream.indirect.scatter.add.f32 [tilespmem:s13], [sflag:$0x5], $0x10, s3, s14, $0xb8;
	[tilespmem:$0x1CF80] =	vst v63  }
0x6e: {  	_ =	swait.ge [sflag:s30], $0x800  }
0x6f: {  	[sflag:s30] =	ssyncset.done $0x0  }
0x70: {  	s10 =	sshrl.u32 s22, $0x3;
	[sflag:s30] =	ssyncadd.s32 $0xFFFFF800  }
0x71: {  	[tilespmem:s3], [sflag:$0x1] =	stream.linear.gather [hbm4b:s9+s3], $0x80, $0x38;
	[tilespmem:$0x1CF80] =	vst v63  }
0x72: {  	s10 =	sadd.s32 s4, s10  }
0x73: {  	[tilespmem:s13], [sflag:$0x3] =	stream.strided.gather [hbm4b:s10+s0], $0x800, s2, s0, $0x38;
	[tilespmem:$0x1CF80] =	vst v63  }
0x74: {  	_ =	swait.ge [sflag:s18], $0x80  }
0x75: {  	[sflag:s18] =	ssyncset.done $0x0  }
0x76: {  	[sflag:s18] =	ssyncadd.s32 $0xFFFFFF80  }
0x77: {  	_ =	swait.ge [sflag:s20], $0x800  }
.Ltmp0:
0x78: {  	[sflag:s20] =	ssyncset.done $0x0;
	(pc) =	sbr.rel @p0 .LBB2_2-.Ltmp0, $4  }
0x79: {  	[sflag:s20] =	ssyncadd.s32 $0xFFFFF800  }
0x7a: {  	[spmem:s1] =	stream.indirect.scatter.add.f32 [tilespmem:s15], [sflag:$0x5], $0x10, s14, s14, $0xb8;
	[tilespmem:$0x1CF80] =	vst v63  }
0x7b: {  	_ =	swait.ge [sflag:s30], $0x800  }
0x7c: {  	s9 =	sadd.s32 $0x20, s9;
	[sflag:s30] =	ssyncset.done $0x0  }
0x7d: {  	s10 =	sadd.s32 $0xFFFFFFF0, s9;
	[sflag:s30] =	ssyncadd.s32 $0xFFFFF800  }
0x7e: {  	[tilespmem:s14], [sflag:$0x2] =	stream.linear.gather [hbm4b:s10+s3], $0x80, $0x38;
	[tilespmem:$0x1CF80] =	vst v63  }
0x7f: {  	s12 =	sadd.s32 s11, s23  }
0x80: {  	[tilespmem:s15], [sflag:$0x4] =	stream.strided.gather [hbm4b:s12+s0], $0x800, s2, s0, $0x38;
	[tilespmem:$0x1CF80] =	vst v63  }
0x81: {  	_ =	swait.ge [sflag:s16], $0x80  }
0x82: {  	[sflag:s16] =	ssyncset.done $0x0  }
0x83: {  	[sflag:s16] =	ssyncadd.s32 $0xFFFFFF80  }
0x84: {  	_ =	swait.ge [sflag:s17], $0x800  }
0x85: {  	[sflag:s17] =	ssyncset.done $0x0  }
0x86: {  	[sflag:s17] =	ssyncadd.s32 $0xFFFFF800  }
0x87: {  	[spmem:s1] =	stream.indirect.scatter.add.f32 [tilespmem:s13], [sflag:$0x5], $0x10, s3, s14, $0xb8;
	[tilespmem:$0x1CF80] =	vst v63  }
0x88: {  	_ =	swait.ge [sflag:s30], $0x800  }
0x89: {  	s19 =	sadd.s32 $0x4000, s22;
	[sflag:s30] =	ssyncset.done $0x0  }
0x8a: {  	s10 =	sshrl.u32 s19, $0x3;
	[sflag:s30] =	ssyncadd.s32 $0xFFFFF800  }
0x8b: {  	[tilespmem:s3], [sflag:$0x1] =	stream.linear.gather [hbm4b:s9+s3], $0x80, $0x38;
	[tilespmem:$0x1CF80] =	vst v63  }
0x8c: {  	s22 =	sadd.s32 s4, s10  }
0x8d: {  	[tilespmem:s13], [sflag:$0x3] =	stream.strided.gather [hbm4b:s22+s0], $0x800, s2, s0, $0x38;
	[tilespmem:$0x1CF80] =	vst v63  }
0x8e: {  	_ =	swait.ge [sflag:s18], $0x80  }
0x8f: {  	[sflag:s18] =	ssyncset.done $0x0  }
0x90: {  	[sflag:s18] =	ssyncadd.s32 $0xFFFFFF80  }
0x91: {  	_ =	swait.ge [sflag:s20], $0x800  }
0x92: {  	[sflag:s20] =	ssyncset.done $0x0  }
0x93: {  	[sflag:s20] =	ssyncadd.s32 $0xFFFFF800  }
0x94: {  	[spmem:s1] =	stream.indirect.scatter.add.f32 [tilespmem:s15], [sflag:$0x5], $0x10, s14, s14, $0xb8;
	[tilespmem:$0x1CF80] =	vst v63  }
0x95: {  	_ =	swait.ge [sflag:s30], $0x800  }
0x96: {  	[sflag:s30] =	ssyncset.done $0x0  }
0x97: {  	s11 =	simm.s32 $0x0;
	s10 =	rddreg [dreg:$0xd];
	[sflag:s30] =	ssyncadd.s32 $0xFFFFF800  }
0x98: {  	[tilespmem:s14], [sflag:$0x2] =	stream.linear.gather [hbm4b:s10+s11], $0x80, $0x38;
	[tilespmem:$0x1CF80] =	vst v63  }
0x99: {  	s12 =	rddreg [dreg:$0xe]  }
0x9a: {  	[tilespmem:s15], [sflag:$0x4] =	stream.strided.gather [hbm4b:s12+s0], $0x800, s2, s0, $0x38;
	[tilespmem:$0x1CF80] =	vst v63  }
0x9b: {  	_ =	swait.ge [sflag:s16], $0x80  }
0x9c: {  	[sflag:s16] =	ssyncset.done $0x0  }
0x9d: {  	[sflag:s16] =	ssyncadd.s32 $0xFFFFFF80  }
0x9e: {  	_ =	swait.ge [sflag:s17], $0x800  }
0x9f: {  	[sflag:s17] =	ssyncset.done $0x0  }
0xa0: {  	[sflag:s17] =	ssyncadd.s32 $0xFFFFF800  }
0xa1: {  	[spmem:s1] =	stream.indirect.scatter.add.f32 [tilespmem:s13], [sflag:$0x5], $0x10, s11, s14, $0xb8;
	[tilespmem:$0x1CF80] =	vst v63  }
0xa2: {  	_ =	swait.ge [sflag:s30], $0x800  }
0xa3: {  	[sflag:s30] =	ssyncset.done $0x0  }
0xa4: {  	[sflag:s30] =	ssyncadd.s32 $0xFFFFF800  }
0xa5: {  	_ =	swait.ge [sflag:s18], $0x80  }
0xa6: {  	[sflag:s18] =	ssyncset.done $0x0  }
0xa7: {  	[sflag:s18] =	ssyncadd.s32 $0xFFFFFF80  }
0xa8: {  	_ =	swait.ge [sflag:s20], $0x800  }
0xa9: {  	[sflag:s20] =	ssyncset.done $0x0  }
0xaa: {  	[sflag:s20] =	ssyncadd.s32 $0xFFFFF800  }
0xab: {  	[spmem:s1] =	stream.indirect.scatter.add.f32 [tilespmem:s15], [sflag:$0x5], $0x10, s14, s14, $0xb8;
	[tilespmem:$0x1CF80] =	vst v63  }
0xac: {  	_ =	swait.ge [sflag:s30], $0x800  }
0xad: {  	[sflag:s30] =	ssyncset.done $0x0  }
0xae: {  	[sflag:s30] =	ssyncadd.s32 $0xFFFFF800  }
0xaf: {  	[bflag:$0x0] =	sbarrier.arrive $0xFFFF  }
0xb0: {  	s19 =	rddreg [dreg:$0x9]  }
0xb1: {  	s12 =	simm.s32 $0x8;
	s22 =	rddreg [dreg:$0x8];
	s9 =	sshrl.u32 s19, $0x3  }
0xb2: {  	[hbm:s22@s12], [sflag:s7] =	dma.strided [spmem:s9@s18], $0x30D4, s16, $0x2   }
0xb3: {  	_ =	swait.ge [sflag:s30], $0x30D4  }
0xb4: {  	[sflag:s30] =	ssyncset.done $0x0  }
0xb5: {  	[sflag:s30] =	ssyncadd.s32 $0xFFFFCF2C  }
0xb6: {  	[bflag:$0x0] =	sbarrier.arrive $0xFFFF  }
0xb7: {  	[spmem:s5], [sflag:s7] =	dma.local [hbm:s26], $0x30D6  }
0xb8: {  	_ =	swait.ge [sflag:s30], $0x30D6  }
0xb9: {  	[sflag:s30] =	ssyncset.done $0x0  }
0xba: {  	[sflag:s30] =	ssyncadd.s32 $0xFFFFCF2A  }
0xbb: {  	[tilespmem:s31], [sflag:$0x5] =	stream.linear.gather [spmem:s6], $0x37D0, $0x38;
	[tilespmem:$0x1CF80] =	vst v63  }
0xbc: {  	_ =	swait.ge [sflag:s30], $0x37D0  }
0xbd: {  	[sflag:s30] =	ssyncset.done $0x0  }
0xbe: {  	[sflag:s30] =	ssyncadd.s32 $0xFFFFC830  }
0xbf: {  	[tilespmem:s31], [sflag:$0x5] =	stream.linear.gather [spmem:s28], $0x37D0, $0x38;
	[tilespmem:$0x1CF80] =	vst v63  }
0xc0: {  	_ =	swait.ge [sflag:s30], $0x37D0  }
0xc1: {  	[sflag:s30] =	ssyncset.done $0x0  }
0xc2: {  	s22 =	smov.u32 s28;
	s28 =	rddreg [dreg:$0x3];
	[sflag:s30] =	ssyncadd.s32 $0xFFFFC830  }
0xc3: {  	[tilespmem:s31], [sflag:$0x5] =	stream.linear.gather [spmem:s28], $0x37D0, $0x38;
	[tilespmem:$0x1CF80] =	vst v63  }
0xc4: {  	_ =	swait.ge [sflag:s30], $0x37D0  }
0xc5: {  	[sflag:s30] =	ssyncset.done $0x0  }
0xc6: {  	s10 =	rddreg [dreg:$0x4];
	[sflag:s30] =	ssyncadd.s32 $0xFFFFC830  }
0xc7: {  	[tilespmem:s31], [sflag:$0x5] =	stream.linear.gather [spmem:s10], $0x37D0, $0x38;
	[tilespmem:$0x1CF80] =	vst v63  }
0xc8: {  	_ =	swait.ge [sflag:s30], $0x37D0  }
0xc9: {  	[sflag:s30] =	ssyncset.done $0x0  }
0xca: {  	s12 =	rddreg [dreg:$0x5];
	[sflag:s30] =	ssyncadd.s32 $0xFFFFC830  }
0xcb: {  	[tilespmem:s31], [sflag:$0x5] =	stream.linear.gather [spmem:s12], $0x37D0, $0x38;
	[tilespmem:$0x1CF80] =	vst v63  }
0xcc: {  	_ =	swait.ge [sflag:s30], $0x37D0  }
0xcd: {  	[sflag:s30] =	ssyncset.done $0x0  }
0xce: {  	s19 =	smov.u32 s26;
	s26 =	rddreg [dreg:$0x11];
	[sflag:s30] =	ssyncadd.s32 $0xFFFFC830  }
0xcf: {  	[tilespmem:s31], [sflag:$0x5] =	stream.linear.gather [spmem:s26], $0x37D0, $0x38;
	[tilespmem:$0x1CF80] =	vst v63  }
0xd0: {  	_ =	swait.ge [sflag:s30], $0x37D0  }
0xd1: {  	[sflag:s30] =	ssyncset.done $0x0  }
0xd2: {  	s28 =	rddreg [dreg:$0x12];
	[sflag:s30] =	ssyncadd.s32 $0xFFFFC830  }
0xd3: {  	[tilespmem:s31], [sflag:$0x5] =	stream.linear.gather [spmem:s28], $0x37D0, $0x38;
	[tilespmem:$0x1CF80] =	vst v63  }
0xd4: {  	_ =	swait.ge [sflag:s30], $0x37D0  }
0xd5: {  	[sflag:s30] =	ssyncset.done $0x0  }
0xd6: {  	[sflag:s30] =	ssyncadd.s32 $0xFFFFC830  }
0xd7: {  	[bflag:$0x0] =	sbarrier.arrive $0xFFFF  }
0xd8: {  	s10 =	rddreg [dreg:$0x6]  }
0xd9: {  	[tilespmem:s11], [sflag:$0x1] =	stream.linear.gather [hbm4b:s10+s11], $0x80, $0x38;
	[tilespmem:$0x1CF80] =	vst v63  }
0xda: {  	s12 =	rddreg [dreg:$0xa]  }
0xdb: {  	[tilespmem:s13], [sflag:$0x3] =	stream.strided.gather [hbm4b:s12+s0], $0x800, s2, s0, $0x38;
	[tilespmem:$0x1CF80] =	vst v63  }
0xdc: {  	_ = 	snop  }
0xdd: {  	[tilespmem:s14], [sflag:$0x2] =	stream.linear.gather [hbm4b:s8+s3], $0x80, $0x38;
	[tilespmem:$0x1CF80] =	vst v63  }
0xde: {  	s26 =	sadd.s32 $0x0, s25  }
0xdf: {  	[tilespmem:s15], [sflag:$0x4] =	stream.strided.gather [hbm4b:s26+s0], $0x800, s2, s0, $0x38;
	[tilespmem:$0x1CF80] =	vst v63  }
0xe0: {  	_ =	swait.ge [sflag:s16], $0x80  }
0xe1: {  	[sflag:s16] =	ssyncset.done $0x0  }
0xe2: {  	[sflag:s16] =	ssyncadd.s32 $0xFFFFFF80  }
0xe3: {  	_ =	swait.ge [sflag:s17], $0x800  }
0xe4: {  	[sflag:s17] =	ssyncset.done $0x0  }
0xe5: {  	[sflag:s17] =	ssyncadd.s32 $0xFFFFF800  }
0xe6: {  	[spmem:s1] =	stream.indirect.scatter.add.f32 [tilespmem:s13], [sflag:$0x5], $0x10, s3, s14, $0xb8;
	[tilespmem:$0x1CF80] =	vst v63  }
0xe7: {  	_ =	swait.ge [sflag:s30], $0x800  }
0xe8: {  	[sflag:s30] =	ssyncset.done $0x0  }
0xe9: {  	[sflag:s30] =	ssyncadd.s32 $0xFFFFF800  }
0xea: {  	[tilespmem:s3], [sflag:$0x1] =	stream.linear.gather [hbm4b:s29+s3], $0x80, $0x38;
	[tilespmem:$0x1CF80] =	vst v63  }
0xeb: {  	s28 =	sadd.s32 $0x0, s24  }
0xec: {  	[tilespmem:s13], [sflag:$0x3] =	stream.strided.gather [hbm4b:s28+s0], $0x800, s2, s0, $0x38;
	[tilespmem:$0x1CF80] =	vst v63  }
0xed: {  	_ =	swait.ge [sflag:s18], $0x80  }
0xee: {  	[sflag:s18] =	ssyncset.done $0x0  }
0xef: {  	[sflag:s18] =	ssyncadd.s32 $0xFFFFFF80  }
0xf0: {  	_ =	swait.ge [sflag:s20], $0x800  }
0xf1: {  	[sflag:s20] =	ssyncset.done $0x0  }
0xf2: {  	[sflag:s20] =	ssyncadd.s32 $0xFFFFF800  }
0xf3: {  	[spmem:s1] =	stream.indirect.scatter.add.f32 [tilespmem:s15], [sflag:$0x5], $0x10, s14, s14, $0xb8;
	[tilespmem:$0x1CF80] =	vst v63  }
0xf4: {  	s5 =	simm.s32 $0x800;
	_ =	swait.ge [sflag:s30], $0x800  }
0xf5: {  	s11 =	simm.s32 $0x1000;
	s8 =	sadd.s32 $0x20, s29;
	[sflag:s30] =	ssyncset.done $0x0  }
.LBB2_4:
0xf6: {  	p0 =	sne.s32 s11, $0xC2800;
	s10 =	sadd.s32 $0xFFFFFFF0, s8;
	[sflag:s30] =	ssyncadd.s32 $0xFFFFF800  }
0xf7: {  	[tilespmem:s14], [sflag:$0x2] =	stream.linear.gather [hbm4b:s10+s3], $0x80, $0x38;
	[tilespmem:$0x1CF80] =	vst v63  }
0xf8: {  	s12 =	smov.u32 s11;
	s11 =	sadd.s32 $0x800, s11;
	s10 =	sadd.s32 s5, s25  }
0xf9: {  	[tilespmem:s15], [sflag:$0x4] =	stream.strided.gather [hbm4b:s10+s0], $0x800, s2, s0, $0x38;
	[tilespmem:$0x1CF80] =	vst v63  }
0xfa: {  	_ =	swait.ge [sflag:s16], $0x80  }
0xfb: {  	[sflag:s16] =	ssyncset.done $0x0  }
0xfc: {  	[sflag:s16] =	ssyncadd.s32 $0xFFFFFF80  }
0xfd: {  	_ =	swait.ge [sflag:s17], $0x800  }
0xfe: {  	[sflag:s17] =	ssyncset.done $0x0  }
0xff: {  	[sflag:s17] =	ssyncadd.s32 $0xFFFFF800  }
0x100: {  	[spmem:s1] =	stream.indirect.scatter.add.f32 [tilespmem:s13], [sflag:$0x5], $0x10, s3, s14, $0xb8;
	[tilespmem:$0x1CF80] =	vst v63  }
0x101: {  	_ =	swait.ge [sflag:s30], $0x800  }
0x102: {  	[sflag:s30] =	ssyncset.done $0x0  }
0x103: {  	[sflag:s30] =	ssyncadd.s32 $0xFFFFF800  }
0x104: {  	[tilespmem:s3], [sflag:$0x1] =	stream.linear.gather [hbm4b:s8+s3], $0x80, $0x38;
	[tilespmem:$0x1CF80] =	vst v63  }
0x105: {  	s10 =	sadd.s32 s5, s24;
	s5 =	smov.u32 s12  }
0x106: {  	[tilespmem:s13], [sflag:$0x3] =	stream.strided.gather [hbm4b:s10+s0], $0x800, s2, s0, $0x38;
	[tilespmem:$0x1CF80] =	vst v63  }
0x107: {  	_ =	swait.ge [sflag:s18], $0x80  }
0x108: {  	[sflag:s18] =	ssyncset.done $0x0  }
0x109: {  	[sflag:s18] =	ssyncadd.s32 $0xFFFFFF80  }
0x10a: {  	_ =	swait.ge [sflag:s20], $0x800  }
.Ltmp1:
0x10b: {  	[sflag:s20] =	ssyncset.done $0x0;
	(pc) =	sbr.rel @p0 .LBB2_4-.Ltmp1, $4  }
0x10c: {  	[sflag:s20] =	ssyncadd.s32 $0xFFFFF800  }
0x10d: {  	[spmem:s1] =	stream.indirect.scatter.add.f32 [tilespmem:s15], [sflag:$0x5], $0x10, s14, s14, $0xb8;
	[tilespmem:$0x1CF80] =	vst v63  }
0x10e: {  	_ =	swait.ge [sflag:s30], $0x800  }
0x10f: {  	s8 =	sadd.s32 $0x20, s8;
	[sflag:s30] =	ssyncset.done $0x0  }
0x110: {  	s10 =	sadd.s32 $0xFFFFFFF0, s8;
	[sflag:s30] =	ssyncadd.s32 $0xFFFFF800  }
0x111: {  	[tilespmem:s14], [sflag:$0x2] =	stream.linear.gather [hbm4b:s10+s3], $0x80, $0x38;
	[tilespmem:$0x1CF80] =	vst v63  }
0x112: {  	s28 =	sadd.s32 s5, s25  }
0x113: {  	[tilespmem:s15], [sflag:$0x4] =	stream.strided.gather [hbm4b:s28+s0], $0x800, s2, s0, $0x38;
	[tilespmem:$0x1CF80] =	vst v63  }
0x114: {  	_ =	swait.ge [sflag:s16], $0x80  }
0x115: {  	[sflag:s16] =	ssyncset.done $0x0  }
0x116: {  	[sflag:s16] =	ssyncadd.s32 $0xFFFFFF80  }
0x117: {  	_ =	swait.ge [sflag:s17], $0x800  }
0x118: {  	[sflag:s17] =	ssyncset.done $0x0  }
0x119: {  	[sflag:s17] =	ssyncadd.s32 $0xFFFFF800  }
0x11a: {  	[spmem:s1] =	stream.indirect.scatter.add.f32 [tilespmem:s13], [sflag:$0x5], $0x10, s3, s14, $0xb8;
	[tilespmem:$0x1CF80] =	vst v63  }
0x11b: {  	_ =	swait.ge [sflag:s30], $0x800  }
0x11c: {  	[sflag:s30] =	ssyncset.done $0x0  }
0x11d: {  	[sflag:s30] =	ssyncadd.s32 $0xFFFFF800  }
0x11e: {  	[tilespmem:s3], [sflag:$0x1] =	stream.linear.gather [hbm4b:s8+s3], $0x80, $0x38;
	[tilespmem:$0x1CF80] =	vst v63  }
0x11f: {  	s8 =	sadd.s32 s5, s24  }
0x120: {  	[tilespmem:s13], [sflag:$0x3] =	stream.strided.gather [hbm4b:s8+s0], $0x800, s2, s0, $0x38;
	[tilespmem:$0x1CF80] =	vst v63  }
0x121: {  	_ =	swait.ge [sflag:s18], $0x80  }
0x122: {  	[sflag:s18] =	ssyncset.done $0x0  }
0x123: {  	[sflag:s18] =	ssyncadd.s32 $0xFFFFFF80  }
0x124: {  	_ =	swait.ge [sflag:s20], $0x800  }
0x125: {  	[sflag:s20] =	ssyncset.done $0x0  }
0x126: {  	[sflag:s20] =	ssyncadd.s32 $0xFFFFF800  }
0x127: {  	[spmem:s1] =	stream.indirect.scatter.add.f32 [tilespmem:s15], [sflag:$0x5], $0x10, s14, s14, $0xb8;
	[tilespmem:$0x1CF80] =	vst v63  }
0x128: {  	_ =	swait.ge [sflag:s30], $0x800  }
0x129: {  	[sflag:s30] =	ssyncset.done $0x0  }
0x12a: {  	s10 =	rddreg [dreg:$0xd];
	[sflag:s30] =	ssyncadd.s32 $0xFFFFF800  }
0x12b: {  	[tilespmem:s14], [sflag:$0x2] =	stream.linear.gather [hbm4b:s10+s3], $0x80, $0x38;
	[tilespmem:$0x1CF80] =	vst v63  }
0x12c: {  	s11 =	rddreg [dreg:$0xf]  }
0x12d: {  	[tilespmem:s15], [sflag:$0x4] =	stream.strided.gather [hbm4b:s11+s0], $0x800, s2, s0, $0x38;
	[tilespmem:$0x1CF80] =	vst v63  }
0x12e: {  	_ =	swait.ge [sflag:s16], $0x80  }
0x12f: {  	[sflag:s16] =	ssyncset.done $0x0  }
0x130: {  	[sflag:s16] =	ssyncadd.s32 $0xFFFFFF80  }
0x131: {  	_ =	swait.ge [sflag:s17], $0x800  }
0x132: {  	[sflag:s17] =	ssyncset.done $0x0  }
0x133: {  	[sflag:s17] =	ssyncadd.s32 $0xFFFFF800  }
0x134: {  	[spmem:s1] =	stream.indirect.scatter.add.f32 [tilespmem:s13], [sflag:$0x5], $0x10, s3, s14, $0xb8;
	[tilespmem:$0x1CF80] =	vst v63  }
0x135: {  	_ =	swait.ge [sflag:s30], $0x800  }
0x136: {  	[sflag:s30] =	ssyncset.done $0x0  }
0x137: {  	[sflag:s30] =	ssyncadd.s32 $0xFFFFF800  }
0x138: {  	_ =	swait.ge [sflag:s18], $0x80  }
0x139: {  	[sflag:s18] =	ssyncset.done $0x0  }
0x13a: {  	[sflag:s18] =	ssyncadd.s32 $0xFFFFFF80  }
0x13b: {  	_ =	swait.ge [sflag:s20], $0x800  }
0x13c: {  	[sflag:s20] =	ssyncset.done $0x0  }
0x13d: {  	[sflag:s20] =	ssyncadd.s32 $0xFFFFF800  }
0x13e: {  	[spmem:s1] =	stream.indirect.scatter.add.f32 [tilespmem:s15], [sflag:$0x5], $0x10, s14, s14, $0xb8;
	[tilespmem:$0x1CF80] =	vst v63  }
0x13f: {  	_ =	swait.ge [sflag:s30], $0x800  }
0x140: {  	[sflag:s30] =	ssyncset.done $0x0  }
0x141: {  	[sflag:s30] =	ssyncadd.s32 $0xFFFFF800  }
0x142: {  	[bflag:$0x0] =	sbarrier.arrive $0xFFFF  }
0x143: {  	s26 =	simm.s32 $0x8;
	s12 =	rddreg [dreg:$0xb]  }
0x144: {  	[hbm:s12@s26], [sflag:s7] =	dma.strided [spmem:s9@s18], $0x30D4, s16, $0x2   }
0x145: {  	_ =	swait.ge [sflag:s30], $0x30D4  }
0x146: {  	s21 =	sadd.s32 $0x1, s21;
	s28 =	rddreg [dreg:$0xc]  }
0x147: {  	p0 =	sne.s32 s21, s28  }
.Ltmp2:
0x148: {  	_ = 	snop;
	(pc) =	sbr.rel @p0 .LBB2_1-.Ltmp2, $3  }
0x149: {  	[sflag:s30] =	ssyncset.done $0x0  }
0x14a: {  	[sflag:s30] =	ssyncadd.s32 $0xFFFFCF2C  }
0x14b: {  	[bflag:$0x0] =	sbarrier.arrive $0xFFFF;
	_ =	sdelay $0x1  }
0x14c: {  	_ =	sfence.sel $0x180000  }
0x14d: {  	[bflag:$0x0] =	sbarrier.arrive $0xFFFF  }
0x14e: {  	_ =	strace $0x9000004A  }
0x14f: {  	s0 =	stileid.u32;
	[bflag:$0x2] =	sbarrier.arrive $0xFFFF  }
0x150: {  	p0 =	sne.s32 s0, $0x0;
	s0 =	rddreg [dreg:$0x2]  }
0x151: {  	s0 =	sadd.s32 @!p0 $0x100000, s0  }
0x152: {  	[sflag:s0] =	ssyncadd.tile.s32 @!p0 $0x1;
	_ =	shalt  }
.Lfunc_end2:
_tile_overlayer_lowered:
.L_overlay_start_2:
0x153: {  	(tag) =	ssettag $0x2  }
0x154: {  	s0 =	rddreg [dreg:$0x0];
	s2 =	stileid.u32  }
0x155: {  	s1 =	rddreg [dreg:$0x1];
	p0 =	sne.s32 s2, $0x0  }
0x156: {  	s3 =	rddreg [dreg:$0x2];
	[bflag:$0x3] =	sbarrier.arrive $0xFFFF;
	s2 =	simm.s32 @!p0 $0x1C05  }
0x157: {  	[timem:s3], [sflag:s2] =	dma.local @!p0 [hbm:s0], s1  }
0x158: {  	s0 =	simm.s32 @!p0 $0x5  }
0x159: {  	_ =	swait.ge @!p0 [sflag:s0], s1  }
0x15a: {  	s1 =	ssub.s32 @!p0 $0x0, s1;
	[sflag:s0] =	ssyncset.done @!p0 $0x0  }
0x15b: {  	[sflag:s0] =	ssyncadd.s32 @!p0 s1  }
0x15c: {  	[bflag:$0x3] =	sbarrier.arrive $0xFFFF  }
0x15d: {  	_ =	shalt  }

</sc_bundles>
